<compile_context>
chip_gen: v7x
topology: tpu7x:2x2x1
jax: 0.10.2.dev20260603
libtpu: 0.0.44.dev20260713+nightly
codegen_flags: <defaults>
</compile_context>

<pallas_src>
import functools

import jax
import jax.numpy as jnp
from jax import lax
from jax.experimental import pallas as pl
from jax.experimental.pallas import tpu as pltpu
from jax.experimental.pallas import tpu_sc as plsc

NC, NS = 2, 16
NW = NC * NS
BATCH, HIST, D = 4096, 200, 128
VOCAB = 1000
B = BATCH * HIST
RPW = B // NW
G = 128
NG = RPW // G
NB = 4


@jax.jit
def _sc_gather(src_flat, emb_weight):
  mesh = plsc.VectorSubcoreMesh(
      core_axis_name="c", subcore_axis_name="s",
      num_cores=NC, num_subcores=NS)

  @functools.partial(
      pl.kernel,
      out_type=jax.ShapeDtypeStruct((NW * NG, G, D), jnp.float32),
      mesh=mesh,
      scratch_types=[
          pltpu.VMEM((NG, G), jnp.int32),
          pltpu.VMEM((NB, G, D), jnp.float32),
          [pltpu.SemaphoreType.DMA] * NB,
          [pltpu.SemaphoreType.DMA] * NB,
          pltpu.VMEM_SHARED((VOCAB, D), jnp.float32),
      ],
  )
  def k(idx_hbm, table_hbm, out_hbm, idx_v, rows_v, gsems, wsems, table_sh):
    wid = lax.axis_index("s") * NC + lax.axis_index("c")

    @pl.when(lax.axis_index("s") == 0)
    def _():
      pltpu.sync_copy(table_hbm, table_sh)

    pltpu.sync_copy(idx_hbm.at[wid], idx_v)
    plsc.subcore_barrier()

    obase = wid * NG

    for b in range(NB):
      pltpu.async_copy(table_sh.at[idx_v.at[b]], rows_v.at[b], gsems[b])

    def body(jj, _):
      for b in range(NB):
        j = jj + b
        pltpu.make_async_copy(
            table_sh.at[idx_v.at[j]], rows_v.at[b], gsems[b]).wait()
        pltpu.async_copy(rows_v.at[b], out_hbm.at[obase + j], wsems[b])
      for b in range(NB):
        j = jj + b

        @pl.when(j + NB < NG)
        def _():
          pltpu.make_async_copy(
              rows_v.at[b], out_hbm.at[obase + j], wsems[b]).wait()
          pltpu.async_copy(
              table_sh.at[idx_v.at[j + NB]], rows_v.at[b], gsems[b])
      return 0

    lax.fori_loop(0, NG // NB, lambda i, c: body(i * NB, c), 0)

    for b in range(NB):
      pltpu.make_async_copy(
          rows_v.at[b], out_hbm.at[obase + NG - NB + b], wsems[b]).wait()

  return k(src_flat, emb_weight)


def kernel(src, emb_weight):
  src_flat = src.reshape(NW, NG, G)
  out = _sc_gather(src_flat, emb_weight)
  return out.reshape(BATCH, HIST, D)

# --- scband reference (transcript-rebuilt; emitter-appended) ---
"""Pipeline reference for scband-encoder-5566277615740 (READ-ONLY COPY).

The authoritative reference and input builder live on the scoring server;
editing this copy changes nothing except your own understanding.
"""

import jax, jax.numpy as jnp
import numpy as np

PAD_IDX = 0
VOCAB = 1000
DIM = 128
BATCH = 4096
HIST = 200


def setup_inputs(seed: int = 0) -> dict:
    key = jax.random.key(seed)
    k1, k2 = jax.random.split(key)
    src = jax.random.randint(k1, (BATCH, HIST), 0, VOCAB, dtype=jnp.int32)
    emb_weight = jax.random.normal(k2, (VOCAB, DIM), dtype=jnp.float32)
    # nn.Embedding with padding_idx zero-initializes the pad row
    emb_weight = emb_weight.at[PAD_IDX].set(0.0)
    return {"src": src, "emb_weight": emb_weight}


def reference(src, emb_weight):
    # forward: dropout(embedding(src)); dropout p=0 is identity (eval mode)
    out = jnp.take(emb_weight, src, axis=0)
    return out

if __name__ == "__main__":
    import jax
    _d = setup_inputs()
    print(jax.jit(kernel)(*tuple(_d.values())))

</pallas_src>

<mosaic_0001>
#map = affine_map<(d0, d1) -> (0, 0, 0)>
#map1 = affine_map<(d0, d1) -> (0, 0)>
module attributes {stable_mosaic.version = 14 : i64} {
  func.func @k(%arg0: i32, %arg1: i32, %arg2: memref<32x200x128xi32, #tpu.memory_space<hbm>>, %arg3: memref<1000x128xf32, #tpu.memory_space<hbm>>, %arg4: memref<6400x128x128xf32, #tpu.memory_space<hbm>>, %arg5: memref<200x128xi32, #tpu.memory_space<vmem>>, %arg6: memref<4x128x128xf32, #tpu.memory_space<vmem>>, %arg7: memref<!tpu.dma_semaphore, #tpu.memory_space<semaphore_mem>>, %arg8: memref<!tpu.dma_semaphore, #tpu.memory_space<semaphore_mem>>, %arg9: memref<!tpu.dma_semaphore, #tpu.memory_space<semaphore_mem>>, %arg10: memref<!tpu.dma_semaphore, #tpu.memory_space<semaphore_mem>>, %arg11: memref<!tpu.dma_semaphore, #tpu.memory_space<semaphore_mem>>, %arg12: memref<!tpu.dma_semaphore, #tpu.memory_space<semaphore_mem>>, %arg13: memref<!tpu.dma_semaphore, #tpu.memory_space<semaphore_mem>>, %arg14: memref<!tpu.dma_semaphore, #tpu.memory_space<semaphore_mem>>, %arg15: memref<1000x128xf32, #tpu.memory_space<vmem_shared>>) attributes {dimension_semantics = [#tpu.dimension_semantics<core_parallel>, #tpu.dimension_semantics<subcore_parallel>], iteration_bounds = array<i64: 2, 16>, scalar_prefetch = 0 : i64, scratch_operands = 11 : i64, tpu.core_type = #tpu.core_type<sc_vector_subcore>, window_params = [{transform_indices = #map}, {transform_indices = #map1}, {transform_indices = #map}]} {
    %mul3A = arith.constant 2 : i32
    %mul3A_0 = arith.muli %arg1, %mul3A : i32
    %add3A = arith.addi %mul3A_0, %arg0 : i32
    %eq3A = arith.constant 0 : i32
    %eq3A_1 = arith.cmpi eq, %arg1, %eq3A : i32
    %convert_element_type3A = arith.extui %eq3A_1 : i1 to i32
    %cond3A = arith.constant 0 : i32
    %cond3A_2 = arith.cmpi ne, %convert_element_type3A, %cond3A : i32
    scf.if %cond3A_2 {
      "tpu.region"() ({
        %run_scoped3A = tpu.sem_alloc : memref<!tpu.dma_semaphore, #tpu.memory_space<semaphore_mem>>
        tpu.enqueue_dma source(%arg3 : memref<1000x128xf32, #tpu.memory_space<hbm>>) target(%arg15 : memref<1000x128xf32, #tpu.memory_space<vmem_shared>>) target_semaphore(%run_scoped3A : memref<!tpu.dma_semaphore, #tpu.memory_space<semaphore_mem>>)
        tpu.wait_dma2 semaphore(%run_scoped3A : memref<!tpu.dma_semaphore, #tpu.memory_space<semaphore_mem>>) src(%arg3 : memref<1000x128xf32, #tpu.memory_space<hbm>>) dst(%arg15 : memref<1000x128xf32, #tpu.memory_space<vmem_shared>>)
        tpu.yield
      }) : () -> ()
    } else {
    }
    "tpu.region"() ({
      %run_scoped3A = tpu.sem_alloc : memref<!tpu.dma_semaphore, #tpu.memory_space<semaphore_mem>>
      %dma_start3A_148 = arith.constant 0 : i32
      %dma_start3A_149 = arith.constant 0 : i32
      %dma_start3A_150 = tpu.memref_slice %arg2[%add3A, %dma_start3A_148, %dma_start3A_149] : memref<32x200x128xi32, #tpu.memory_space<hbm>> -> memref<1x200x128xi32, #tpu.memory_space<hbm>>
      %dma_start3A_151 = tpu.memref_squeeze %dma_start3A_150 : memref<1x200x128xi32, #tpu.memory_space<hbm>> -> memref<200x128xi32, #tpu.memory_space<hbm>>
      %dma_start3A_152 = arith.constant 0 : i32
      %dma_start3A_153 = arith.constant 0 : i32
      %dma_start3A_154 = tpu.memref_slice %arg2[%add3A, %dma_start3A_152, %dma_start3A_153] : memref<32x200x128xi32, #tpu.memory_space<hbm>> -> memref<1x200x128xi32, #tpu.memory_space<hbm>>
      %dma_start3A_155 = tpu.memref_squeeze %dma_start3A_154 : memref<1x200x128xi32, #tpu.memory_space<hbm>> -> memref<200x128xi32, #tpu.memory_space<hbm>>
      tpu.enqueue_dma source(%dma_start3A_155 : memref<200x128xi32, #tpu.memory_space<hbm>>) target(%arg5 : memref<200x128xi32, #tpu.memory_space<vmem>>) target_semaphore(%run_scoped3A : memref<!tpu.dma_semaphore, #tpu.memory_space<semaphore_mem>>)
      %dma_wait3A_156 = arith.constant 0 : i32
      %dma_wait3A_157 = arith.constant 0 : i32
      %dma_wait3A_158 = tpu.memref_slice %arg2[%add3A, %dma_wait3A_156, %dma_wait3A_157] : memref<32x200x128xi32, #tpu.memory_space<hbm>> -> memref<1x200x128xi32, #tpu.memory_space<hbm>>
      %dma_wait3A_159 = tpu.memref_squeeze %dma_wait3A_158 : memref<1x200x128xi32, #tpu.memory_space<hbm>> -> memref<200x128xi32, #tpu.memory_space<hbm>>
      %dma_wait3A_160 = arith.constant 0 : i32
      %dma_wait3A_161 = arith.constant 0 : i32
      %dma_wait3A_162 = tpu.memref_slice %arg2[%add3A, %dma_wait3A_160, %dma_wait3A_161] : memref<32x200x128xi32, #tpu.memory_space<hbm>> -> memref<1x200x128xi32, #tpu.memory_space<hbm>>
      %dma_wait3A_163 = tpu.memref_squeeze %dma_wait3A_162 : memref<1x200x128xi32, #tpu.memory_space<hbm>> -> memref<200x128xi32, #tpu.memory_space<hbm>>
      tpu.wait_dma2 semaphore(%run_scoped3A : memref<!tpu.dma_semaphore, #tpu.memory_space<semaphore_mem>>) src(%dma_wait3A_163 : memref<200x128xi32, #tpu.memory_space<hbm>>) dst(%arg5 : memref<200x128xi32, #tpu.memory_space<vmem>>)
      tpu.yield
    }) : () -> ()
    %barrier3A = arith.constant 0 : index
    tpu.barrier barrier_id(%barrier3A)
    %mul3A_3 = arith.constant 200 : i32
    %mul3A_4 = arith.muli %add3A, %mul3A_3 : i32
    %dma_start3A = arith.constant 0 : i32
    %dma_start3A_5 = arith.constant 0 : i32
    %dma_start3A_6 = arith.constant 0 : i32
    %dma_start3A_7 = arith.constant 0 : i32
    %dma_start3A_8 = tpu.memref_slice %arg6[%dma_start3A_5, %dma_start3A_6, %dma_start3A_7] : memref<4x128x128xf32, #tpu.memory_space<vmem>> -> memref<1x128x128xf32, #tpu.memory_space<vmem>>
    %dma_start3A_9 = tpu.memref_squeeze %dma_start3A_8 : memref<1x128x128xf32, #tpu.memory_space<vmem>> -> memref<128x128xf32, #tpu.memory_space<vmem>>
    %dma_start3A_10 = arith.constant 0 : i32
    %dma_start3A_11 = tpu.memref_slice %arg5[%dma_start3A, %dma_start3A_10] : memref<200x128xi32, #tpu.memory_space<vmem>> -> memref<1x128xi32, #tpu.memory_space<vmem>>
    %dma_start3A_12 = tpu.memref_squeeze %dma_start3A_11 : memref<1x128xi32, #tpu.memory_space<vmem>> -> memref<128xi32, #tpu.memory_space<vmem>>
    %dma_start3A_13 = arith.constant 0 : i32
    %dma_start3A_14 = arith.constant 0 : i32
    %dma_start3A_15 = tpu.memref_slice %arg15[%dma_start3A_13, %dma_start3A_14] : memref<1000x128xf32, #tpu.memory_space<vmem_shared>> -> memref<1000x128xf32, #tpu.memory_space<vmem_shared>>
    tpu.enqueue_indirect_dma source(%dma_start3A_15 : memref<1000x128xf32, #tpu.memory_space<vmem_shared>>) target(%dma_start3A_9 : memref<128x128xf32, #tpu.memory_space<vmem>>) offsets(%dma_start3A_12 : memref<128xi32, #tpu.memory_space<vmem>>) semaphore(%arg7 : memref<!tpu.dma_semaphore, #tpu.memory_space<semaphore_mem>>)
    %dma_start3A_16 = arith.constant 1 : i32
    %dma_start3A_17 = arith.constant 1 : i32
    %dma_start3A_18 = arith.constant 0 : i32
    %dma_start3A_19 = arith.constant 0 : i32
    %dma_start3A_20 = tpu.memref_slice %arg6[%dma_start3A_17, %dma_start3A_18, %dma_start3A_19] : memref<4x128x128xf32, #tpu.memory_space<vmem>> -> memref<1x128x128xf32, #tpu.memory_space<vmem>>
    %dma_start3A_21 = tpu.memref_squeeze %dma_start3A_20 : memref<1x128x128xf32, #tpu.memory_space<vmem>> -> memref<128x128xf32, #tpu.memory_space<vmem>>
    %dma_start3A_22 = arith.constant 0 : i32
    %dma_start3A_23 = tpu.memref_slice %arg5[%dma_start3A_16, %dma_start3A_22] : memref<200x128xi32, #tpu.memory_space<vmem>> -> memref<1x128xi32, #tpu.memory_space<vmem>>
    %dma_start3A_24 = tpu.memref_squeeze %dma_start3A_23 : memref<1x128xi32, #tpu.memory_space<vmem>> -> memref<128xi32, #tpu.memory_space<vmem>>
    %dma_start3A_25 = arith.constant 0 : i32
    %dma_start3A_26 = arith.constant 0 : i32
    %dma_start3A_27 = tpu.memref_slice %arg15[%dma_start3A_25, %dma_start3A_26] : memref<1000x128xf32, #tpu.memory_space<vmem_shared>> -> memref<1000x128xf32, #tpu.memory_space<vmem_shared>>
    tpu.enqueue_indirect_dma source(%dma_start3A_27 : memref<1000x128xf32, #tpu.memory_space<vmem_shared>>) target(%dma_start3A_21 : memref<128x128xf32, #tpu.memory_space<vmem>>) offsets(%dma_start3A_24 : memref<128xi32, #tpu.memory_space<vmem>>) semaphore(%arg8 : memref<!tpu.dma_semaphore, #tpu.memory_space<semaphore_mem>>)
    %dma_start3A_28 = arith.constant 2 : i32
    %dma_start3A_29 = arith.constant 2 : i32
    %dma_start3A_30 = arith.constant 0 : i32
    %dma_start3A_31 = arith.constant 0 : i32
    %dma_start3A_32 = tpu.memref_slice %arg6[%dma_start3A_29, %dma_start3A_30, %dma_start3A_31] : memref<4x128x128xf32, #tpu.memory_space<vmem>> -> memref<1x128x128xf32, #tpu.memory_space<vmem>>
    %dma_start3A_33 = tpu.memref_squeeze %dma_start3A_32 : memref<1x128x128xf32, #tpu.memory_space<vmem>> -> memref<128x128xf32, #tpu.memory_space<vmem>>
    %dma_start3A_34 = arith.constant 0 : i32
    %dma_start3A_35 = tpu.memref_slice %arg5[%dma_start3A_28, %dma_start3A_34] : memref<200x128xi32, #tpu.memory_space<vmem>> -> memref<1x128xi32, #tpu.memory_space<vmem>>
    %dma_start3A_36 = tpu.memref_squeeze %dma_start3A_35 : memref<1x128xi32, #tpu.memory_space<vmem>> -> memref<128xi32, #tpu.memory_space<vmem>>
    %dma_start3A_37 = arith.constant 0 : i32
    %dma_start3A_38 = arith.constant 0 : i32
    %dma_start3A_39 = tpu.memref_slice %arg15[%dma_start3A_37, %dma_start3A_38] : memref<1000x128xf32, #tpu.memory_space<vmem_shared>> -> memref<1000x128xf32, #tpu.memory_space<vmem_shared>>
    tpu.enqueue_indirect_dma source(%dma_start3A_39 : memref<1000x128xf32, #tpu.memory_space<vmem_shared>>) target(%dma_start3A_33 : memref<128x128xf32, #tpu.memory_space<vmem>>) offsets(%dma_start3A_36 : memref<128xi32, #tpu.memory_space<vmem>>) semaphore(%arg9 : memref<!tpu.dma_semaphore, #tpu.memory_space<semaphore_mem>>)
    %dma_start3A_40 = arith.constant 3 : i32
    %dma_start3A_41 = arith.constant 3 : i32
    %dma_start3A_42 = arith.constant 0 : i32
    %dma_start3A_43 = arith.constant 0 : i32
    %dma_start3A_44 = tpu.memref_slice %arg6[%dma_start3A_41, %dma_start3A_42, %dma_start3A_43] : memref<4x128x128xf32, #tpu.memory_space<vmem>> -> memref<1x128x128xf32, #tpu.memory_space<vmem>>
    %dma_start3A_45 = tpu.memref_squeeze %dma_start3A_44 : memref<1x128x128xf32, #tpu.memory_space<vmem>> -> memref<128x128xf32, #tpu.memory_space<vmem>>
    %dma_start3A_46 = arith.constant 0 : i32
    %dma_start3A_47 = tpu.memref_slice %arg5[%dma_start3A_40, %dma_start3A_46] : memref<200x128xi32, #tpu.memory_space<vmem>> -> memref<1x128xi32, #tpu.memory_space<vmem>>
    %dma_start3A_48 = tpu.memref_squeeze %dma_start3A_47 : memref<1x128xi32, #tpu.memory_space<vmem>> -> memref<128xi32, #tpu.memory_space<vmem>>
    %dma_start3A_49 = arith.constant 0 : i32
    %dma_start3A_50 = arith.constant 0 : i32
    %dma_start3A_51 = tpu.memref_slice %arg15[%dma_start3A_49, %dma_start3A_50] : memref<1000x128xf32, #tpu.memory_space<vmem_shared>> -> memref<1000x128xf32, #tpu.memory_space<vmem_shared>>
    tpu.enqueue_indirect_dma source(%dma_start3A_51 : memref<1000x128xf32, #tpu.memory_space<vmem_shared>>) target(%dma_start3A_45 : memref<128x128xf32, #tpu.memory_space<vmem>>) offsets(%dma_start3A_48 : memref<128xi32, #tpu.memory_space<vmem>>) semaphore(%arg10 : memref<!tpu.dma_semaphore, #tpu.memory_space<semaphore_mem>>)
    %scan3A = arith.constant 0 : i32
    %scan3A_52 = arith.constant 0 : i32
    %scan3A_53 = arith.constant 50 : i32
    %scan3A_54 = arith.addi %scan3A_52, %scan3A_53 : i32
    %scan3A_55 = arith.constant 1 : i32
    %scan3A_56 = scf.for %scan3A_148 = %scan3A_52 to %scan3A_54 step %scan3A_55 iter_args(%scan3A_149 = %scan3A) -> (i32)  : i32 {
      %mul3A_150 = arith.constant 4 : i32
      %mul3A_151 = arith.muli %scan3A_148, %mul3A_150 : i32
      %add3A_152 = arith.constant 0 : i32
      %add3A_153 = arith.addi %mul3A_151, %add3A_152 : i32
      %dma_wait3A_154 = arith.constant 0 : i32
      %dma_wait3A_155 = arith.constant 0 : i32
      %dma_wait3A_156 = arith.constant 0 : i32
      %dma_wait3A_157 = tpu.memref_slice %arg6[%dma_wait3A_154, %dma_wait3A_155, %dma_wait3A_156] : memref<4x128x128xf32, #tpu.memory_space<vmem>> -> memref<1x128x128xf32, #tpu.memory_space<vmem>>
      %dma_wait3A_158 = tpu.memref_squeeze %dma_wait3A_157 : memref<1x128x128xf32, #tpu.memory_space<vmem>> -> memref<128x128xf32, #tpu.memory_space<vmem>>
      %dma_wait3A_159 = arith.constant 0 : i32
      %dma_wait3A_160 = tpu.memref_slice %arg5[%add3A_153, %dma_wait3A_159] : memref<200x128xi32, #tpu.memory_space<vmem>> -> memref<1x128xi32, #tpu.memory_space<vmem>>
      %dma_wait3A_161 = tpu.memref_squeeze %dma_wait3A_160 : memref<1x128xi32, #tpu.memory_space<vmem>> -> memref<128xi32, #tpu.memory_space<vmem>>
      %dma_wait3A_162 = arith.constant 0 : i32
      %dma_wait3A_163 = arith.constant 0 : i32
      %dma_wait3A_164 = tpu.memref_slice %arg15[%dma_wait3A_162, %dma_wait3A_163] : memref<1000x128xf32, #tpu.memory_space<vmem_shared>> -> memref<1000x128xf32, #tpu.memory_space<vmem_shared>>
      tpu.wait_indirect_dma semaphore(%arg7 : memref<!tpu.dma_semaphore, #tpu.memory_space<semaphore_mem>>) src(%dma_wait3A_164 : memref<1000x128xf32, #tpu.memory_space<vmem_shared>>) dst(%dma_wait3A_158 : memref<128x128xf32, #tpu.memory_space<vmem>>)
      %add3A_165 = arith.addi %mul3A_4, %add3A_153 : i32
      %dma_start3A_166 = arith.constant 0 : i32
      %dma_start3A_167 = arith.constant 0 : i32
      %dma_start3A_168 = arith.constant 0 : i32
      %dma_start3A_169 = tpu.memref_slice %arg6[%dma_start3A_166, %dma_start3A_167, %dma_start3A_168] : memref<4x128x128xf32, #tpu.memory_space<vmem>> -> memref<1x128x128xf32, #tpu.memory_space<vmem>>
      %dma_start3A_170 = tpu.memref_squeeze %dma_start3A_169 : memref<1x128x128xf32, #tpu.memory_space<vmem>> -> memref<128x128xf32, #tpu.memory_space<vmem>>
      %dma_start3A_171 = arith.constant 0 : i32
      %dma_start3A_172 = arith.constant 0 : i32
      %dma_start3A_173 = tpu.memref_slice %arg4[%add3A_165, %dma_start3A_171, %dma_start3A_172] : memref<6400x128x128xf32, #tpu.memory_space<hbm>> -> memref<1x128x128xf32, #tpu.memory_space<hbm>>
      %dma_start3A_174 = tpu.memref_squeeze %dma_start3A_173 : memref<1x128x128xf32, #tpu.memory_space<hbm>> -> memref<128x128xf32, #tpu.memory_space<hbm>>
      %dma_start3A_175 = arith.constant 0 : i32
      %dma_start3A_176 = arith.constant 0 : i32
      %dma_start3A_177 = tpu.memref_slice %arg4[%add3A_165, %dma_start3A_175, %dma_start3A_176] : memref<6400x128x128xf32, #tpu.memory_space<hbm>> -> memref<1x128x128xf32, #tpu.memory_space<hbm>>
      %dma_start3A_178 = tpu.memref_squeeze %dma_start3A_177 : memref<1x128x128xf32, #tpu.memory_space<hbm>> -> memref<128x128xf32, #tpu.memory_space<hbm>>
      %dma_start3A_179 = arith.constant 0 : i32
      %dma_start3A_180 = arith.constant 0 : i32
      %dma_start3A_181 = tpu.memref_slice %arg6[%dma_start3A_166, %dma_start3A_179, %dma_start3A_180] : memref<4x128x128xf32, #tpu.memory_space<vmem>> -> memref<1x128x128xf32, #tpu.memory_space<vmem>>
      %dma_start3A_182 = tpu.memref_squeeze %dma_start3A_181 : memref<1x128x128xf32, #tpu.memory_space<vmem>> -> memref<128x128xf32, #tpu.memory_space<vmem>>
      tpu.enqueue_dma source(%dma_start3A_182 : memref<128x128xf32, #tpu.memory_space<vmem>>) target(%dma_start3A_178 : memref<128x128xf32, #tpu.memory_space<hbm>>) target_semaphore(%arg11 : memref<!tpu.dma_semaphore, #tpu.memory_space<semaphore_mem>>)
      %add3A_183 = arith.constant 1 : i32
      %add3A_184 = arith.addi %mul3A_151, %add3A_183 : i32
      %dma_wait3A_185 = arith.constant 1 : i32
      %dma_wait3A_186 = arith.constant 0 : i32
      %dma_wait3A_187 = arith.constant 0 : i32
      %dma_wait3A_188 = tpu.memref_slice %arg6[%dma_wait3A_185, %dma_wait3A_186, %dma_wait3A_187] : memref<4x128x128xf32, #tpu.memory_space<vmem>> -> memref<1x128x128xf32, #tpu.memory_space<vmem>>
      %dma_wait3A_189 = tpu.memref_squeeze %dma_wait3A_188 : memref<1x128x128xf32, #tpu.memory_space<vmem>> -> memref<128x128xf32, #tpu.memory_space<vmem>>
      %dma_wait3A_190 = arith.constant 0 : i32
      %dma_wait3A_191 = tpu.memref_slice %arg5[%add3A_184, %dma_wait3A_190] : memref<200x128xi32, #tpu.memory_space<vmem>> -> memref<1x128xi32, #tpu.memory_space<vmem>>
      %dma_wait3A_192 = tpu.memref_squeeze %dma_wait3A_191 : memref<1x128xi32, #tpu.memory_space<vmem>> -> memref<128xi32, #tpu.memory_space<vmem>>
      %dma_wait3A_193 = arith.constant 0 : i32
      %dma_wait3A_194 = arith.constant 0 : i32
      %dma_wait3A_195 = tpu.memref_slice %arg15[%dma_wait3A_193, %dma_wait3A_194] : memref<1000x128xf32, #tpu.memory_space<vmem_shared>> -> memref<1000x128xf32, #tpu.memory_space<vmem_shared>>
      tpu.wait_indirect_dma semaphore(%arg8 : memref<!tpu.dma_semaphore, #tpu.memory_space<semaphore_mem>>) src(%dma_wait3A_195 : memref<1000x128xf32, #tpu.memory_space<vmem_shared>>) dst(%dma_wait3A_189 : memref<128x128xf32, #tpu.memory_space<vmem>>)
      %add3A_196 = arith.addi %mul3A_4, %add3A_184 : i32
      %dma_start3A_197 = arith.constant 1 : i32
      %dma_start3A_198 = arith.constant 0 : i32
      %dma_start3A_199 = arith.constant 0 : i32
      %dma_start3A_200 = tpu.memref_slice %arg6[%dma_start3A_197, %dma_start3A_198, %dma_start3A_199] : memref<4x128x128xf32, #tpu.memory_space<vmem>> -> memref<1x128x128xf32, #tpu.memory_space<vmem>>
      %dma_start3A_201 = tpu.memref_squeeze %dma_start3A_200 : memref<1x128x128xf32, #tpu.memory_space<vmem>> -> memref<128x128xf32, #tpu.memory_space<vmem>>
      %dma_start3A_202 = arith.constant 0 : i32
      %dma_start3A_203 = arith.constant 0 : i32
      %dma_start3A_204 = tpu.memref_slice %arg4[%add3A_196, %dma_start3A_202, %dma_start3A_203] : memref<6400x128x128xf32, #tpu.memory_space<hbm>> -> memref<1x128x128xf32, #tpu.memory_space<hbm>>
      %dma_start3A_205 = tpu.memref_squeeze %dma_start3A_204 : memref<1x128x128xf32, #tpu.memory_space<hbm>> -> memref<128x128xf32, #tpu.memory_space<hbm>>
      %dma_start3A_206 = arith.constant 0 : i32
      %dma_start3A_207 = arith.constant 0 : i32
      %dma_start3A_208 = tpu.memref_slice %arg4[%add3A_196, %dma_start3A_206, %dma_start3A_207] : memref<6400x128x128xf32, #tpu.memory_space<hbm>> -> memref<1x128x128xf32, #tpu.memory_space<hbm>>
      %dma_start3A_209 = tpu.memref_squeeze %dma_start3A_208 : memref<1x128x128xf32, #tpu.memory_space<hbm>> -> memref<128x128xf32, #tpu.memory_space<hbm>>
      %dma_start3A_210 = arith.constant 0 : i32
      %dma_start3A_211 = arith.constant 0 : i32
      %dma_start3A_212 = tpu.memref_slice %arg6[%dma_start3A_197, %dma_start3A_210, %dma_start3A_211] : memref<4x128x128xf32, #tpu.memory_space<vmem>> -> memref<1x128x128xf32, #tpu.memory_space<vmem>>
      %dma_start3A_213 = tpu.memref_squeeze %dma_start3A_212 : memref<1x128x128xf32, #tpu.memory_space<vmem>> -> memref<128x128xf32, #tpu.memory_space<vmem>>
      tpu.enqueue_dma source(%dma_start3A_213 : memref<128x128xf32, #tpu.memory_space<vmem>>) target(%dma_start3A_209 : memref<128x128xf32, #tpu.memory_space<hbm>>) target_semaphore(%arg12 : memref<!tpu.dma_semaphore, #tpu.memory_space<semaphore_mem>>)
      %add3A_214 = arith.constant 2 : i32
      %add3A_215 = arith.addi %mul3A_151, %add3A_214 : i32
      %dma_wait3A_216 = arith.constant 2 : i32
      %dma_wait3A_217 = arith.constant 0 : i32
      %dma_wait3A_218 = arith.constant 0 : i32
      %dma_wait3A_219 = tpu.memref_slice %arg6[%dma_wait3A_216, %dma_wait3A_217, %dma_wait3A_218] : memref<4x128x128xf32, #tpu.memory_space<vmem>> -> memref<1x128x128xf32, #tpu.memory_space<vmem>>
      %dma_wait3A_220 = tpu.memref_squeeze %dma_wait3A_219 : memref<1x128x128xf32, #tpu.memory_space<vmem>> -> memref<128x128xf32, #tpu.memory_space<vmem>>
      %dma_wait3A_221 = arith.constant 0 : i32
      %dma_wait3A_222 = tpu.memref_slice %arg5[%add3A_215, %dma_wait3A_221] : memref<200x128xi32, #tpu.memory_space<vmem>> -> memref<1x128xi32, #tpu.memory_space<vmem>>
      %dma_wait3A_223 = tpu.memref_squeeze %dma_wait3A_222 : memref<1x128xi32, #tpu.memory_space<vmem>> -> memref<128xi32, #tpu.memory_space<vmem>>
      %dma_wait3A_224 = arith.constant 0 : i32
      %dma_wait3A_225 = arith.constant 0 : i32
      %dma_wait3A_226 = tpu.memref_slice %arg15[%dma_wait3A_224, %dma_wait3A_225] : memref<1000x128xf32, #tpu.memory_space<vmem_shared>> -> memref<1000x128xf32, #tpu.memory_space<vmem_shared>>
      tpu.wait_indirect_dma semaphore(%arg9 : memref<!tpu.dma_semaphore, #tpu.memory_space<semaphore_mem>>) src(%dma_wait3A_226 : memref<1000x128xf32, #tpu.memory_space<vmem_shared>>) dst(%dma_wait3A_220 : memref<128x128xf32, #tpu.memory_space<vmem>>)
      %add3A_227 = arith.addi %mul3A_4, %add3A_215 : i32
      %dma_start3A_228 = arith.constant 2 : i32
      %dma_start3A_229 = arith.constant 0 : i32
      %dma_start3A_230 = arith.constant 0 : i32
      %dma_start3A_231 = tpu.memref_slice %arg6[%dma_start3A_228, %dma_start3A_229, %dma_start3A_230] : memref<4x128x128xf32, #tpu.memory_space<vmem>> -> memref<1x128x128xf32, #tpu.memory_space<vmem>>
      %dma_start3A_232 = tpu.memref_squeeze %dma_start3A_231 : memref<1x128x128xf32, #tpu.memory_space<vmem>> -> memref<128x128xf32, #tpu.memory_space<vmem>>
      %dma_start3A_233 = arith.constant 0 : i32
      %dma_start3A_234 = arith.constant 0 : i32
      %dma_start3A_235 = tpu.memref_slice %arg4[%add3A_227, %dma_start3A_233, %dma_start3A_234] : memref<6400x128x128xf32, #tpu.memory_space<hbm>> -> memref<1x128x128xf32, #tpu.memory_space<hbm>>
      %dma_start3A_236 = tpu.memref_squeeze %dma_start3A_235 : memref<1x128x128xf32, #tpu.memory_space<hbm>> -> memref<128x128xf32, #tpu.memory_space<hbm>>
      %dma_start3A_237 = arith.constant 0 : i32
      %dma_start3A_238 = arith.constant 0 : i32
      %dma_start3A_239 = tpu.memref_slice %arg4[%add3A_227, %dma_start3A_237, %dma_start3A_238] : memref<6400x128x128xf32, #tpu.memory_space<hbm>> -> memref<1x128x128xf32, #tpu.memory_space<hbm>>
      %dma_start3A_240 = tpu.memref_squeeze %dma_start3A_239 : memref<1x128x128xf32, #tpu.memory_space<hbm>> -> memref<128x128xf32, #tpu.memory_space<hbm>>
      %dma_start3A_241 = arith.constant 0 : i32
      %dma_start3A_242 = arith.constant 0 : i32
      %dma_start3A_243 = tpu.memref_slice %arg6[%dma_start3A_228, %dma_start3A_241, %dma_start3A_242] : memref<4x128x128xf32, #tpu.memory_space<vmem>> -> memref<1x128x128xf32, #tpu.memory_space<vmem>>
      %dma_start3A_244 = tpu.memref_squeeze %dma_start3A_243 : memref<1x128x128xf32, #tpu.memory_space<vmem>> -> memref<128x128xf32, #tpu.memory_space<vmem>>
      tpu.enqueue_dma source(%dma_start3A_244 : memref<128x128xf32, #tpu.memory_space<vmem>>) target(%dma_start3A_240 : memref<128x128xf32, #tpu.memory_space<hbm>>) target_semaphore(%arg13 : memref<!tpu.dma_semaphore, #tpu.memory_space<semaphore_mem>>)
      %add3A_245 = arith.constant 3 : i32
      %add3A_246 = arith.addi %mul3A_151, %add3A_245 : i32
      %dma_wait3A_247 = arith.constant 3 : i32
      %dma_wait3A_248 = arith.constant 0 : i32
      %dma_wait3A_249 = arith.constant 0 : i32
      %dma_wait3A_250 = tpu.memref_slice %arg6[%dma_wait3A_247, %dma_wait3A_248, %dma_wait3A_249] : memref<4x128x128xf32, #tpu.memory_space<vmem>> -> memref<1x128x128xf32, #tpu.memory_space<vmem>>
      %dma_wait3A_251 = tpu.memref_squeeze %dma_wait3A_250 : memref<1x128x128xf32, #tpu.memory_space<vmem>> -> memref<128x128xf32, #tpu.memory_space<vmem>>
      %dma_wait3A_252 = arith.constant 0 : i32
      %dma_wait3A_253 = tpu.memref_slice %arg5[%add3A_246, %dma_wait3A_252] : memref<200x128xi32, #tpu.memory_space<vmem>> -> memref<1x128xi32, #tpu.memory_space<vmem>>
      %dma_wait3A_254 = tpu.memref_squeeze %dma_wait3A_253 : memref<1x128xi32, #tpu.memory_space<vmem>> -> memref<128xi32, #tpu.memory_space<vmem>>
      %dma_wait3A_255 = arith.constant 0 : i32
      %dma_wait3A_256 = arith.constant 0 : i32
      %dma_wait3A_257 = tpu.memref_slice %arg15[%dma_wait3A_255, %dma_wait3A_256] : memref<1000x128xf32, #tpu.memory_space<vmem_shared>> -> memref<1000x128xf32, #tpu.memory_space<vmem_shared>>
      tpu.wait_indirect_dma semaphore(%arg10 : memref<!tpu.dma_semaphore, #tpu.memory_space<semaphore_mem>>) src(%dma_wait3A_257 : memref<1000x128xf32, #tpu.memory_space<vmem_shared>>) dst(%dma_wait3A_251 : memref<128x128xf32, #tpu.memory_space<vmem>>)
      %add3A_258 = arith.addi %mul3A_4, %add3A_246 : i32
      %dma_start3A_259 = arith.constant 3 : i32
      %dma_start3A_260 = arith.constant 0 : i32
      %dma_start3A_261 = arith.constant 0 : i32
      %dma_start3A_262 = tpu.memref_slice %arg6[%dma_start3A_259, %dma_start3A_260, %dma_start3A_261] : memref<4x128x128xf32, #tpu.memory_space<vmem>> -> memref<1x128x128xf32, #tpu.memory_space<vmem>>
      %dma_start3A_263 = tpu.memref_squeeze %dma_start3A_262 : memref<1x128x128xf32, #tpu.memory_space<vmem>> -> memref<128x128xf32, #tpu.memory_space<vmem>>
      %dma_start3A_264 = arith.constant 0 : i32
      %dma_start3A_265 = arith.constant 0 : i32
      %dma_start3A_266 = tpu.memref_slice %arg4[%add3A_258, %dma_start3A_264, %dma_start3A_265] : memref<6400x128x128xf32, #tpu.memory_space<hbm>> -> memref<1x128x128xf32, #tpu.memory_space<hbm>>
      %dma_start3A_267 = tpu.memref_squeeze %dma_start3A_266 : memref<1x128x128xf32, #tpu.memory_space<hbm>> -> memref<128x128xf32, #tpu.memory_space<hbm>>
      %dma_start3A_268 = arith.constant 0 : i32
      %dma_start3A_269 = arith.constant 0 : i32
      %dma_start3A_270 = tpu.memref_slice %arg4[%add3A_258, %dma_start3A_268, %dma_start3A_269] : memref<6400x128x128xf32, #tpu.memory_space<hbm>> -> memref<1x128x128xf32, #tpu.memory_space<hbm>>
      %dma_start3A_271 = tpu.memref_squeeze %dma_start3A_270 : memref<1x128x128xf32, #tpu.memory_space<hbm>> -> memref<128x128xf32, #tpu.memory_space<hbm>>
      %dma_start3A_272 = arith.constant 0 : i32
      %dma_start3A_273 = arith.constant 0 : i32
      %dma_start3A_274 = tpu.memref_slice %arg6[%dma_start3A_259, %dma_start3A_272, %dma_start3A_273] : memref<4x128x128xf32, #tpu.memory_space<vmem>> -> memref<1x128x128xf32, #tpu.memory_space<vmem>>
      %dma_start3A_275 = tpu.memref_squeeze %dma_start3A_274 : memref<1x128x128xf32, #tpu.memory_space<vmem>> -> memref<128x128xf32, #tpu.memory_space<vmem>>
      tpu.enqueue_dma source(%dma_start3A_275 : memref<128x128xf32, #tpu.memory_space<vmem>>) target(%dma_start3A_271 : memref<128x128xf32, #tpu.memory_space<hbm>>) target_semaphore(%arg14 : memref<!tpu.dma_semaphore, #tpu.memory_space<semaphore_mem>>)
      %add3A_276 = arith.constant 0 : i32
      %add3A_277 = arith.addi %mul3A_151, %add3A_276 : i32
      %add3A_278 = arith.constant 4 : i32
      %add3A_279 = arith.addi %add3A_277, %add3A_278 : i32
      %lt3A = arith.constant 200 : i32
      %lt3A_280 = arith.cmpi slt, %add3A_279, %lt3A : i32
      %convert_element_type3A_281 = arith.extui %lt3A_280 : i1 to i32
      %cond3A_282 = arith.constant 0 : i32
      %cond3A_283 = arith.cmpi ne, %convert_element_type3A_281, %cond3A_282 : i32
      scf.if %cond3A_283 {
        %add3A_312 = arith.addi %mul3A_4, %add3A_277 : i32
        %dma_wait3A_313 = arith.constant 0 : i32
        %dma_wait3A_314 = arith.constant 0 : i32
        %dma_wait3A_315 = arith.constant 0 : i32
        %dma_wait3A_316 = tpu.memref_slice %arg6[%dma_wait3A_313, %dma_wait3A_314, %dma_wait3A_315] : memref<4x128x128xf32, #tpu.memory_space<vmem>> -> memref<1x128x128xf32, #tpu.memory_space<vmem>>
        %dma_wait3A_317 = tpu.memref_squeeze %dma_wait3A_316 : memref<1x128x128xf32, #tpu.memory_space<vmem>> -> memref<128x128xf32, #tpu.memory_space<vmem>>
        %dma_wait3A_318 = arith.constant 0 : i32
        %dma_wait3A_319 = arith.constant 0 : i32
        %dma_wait3A_320 = tpu.memref_slice %arg4[%add3A_312, %dma_wait3A_318, %dma_wait3A_319] : memref<6400x128x128xf32, #tpu.memory_space<hbm>> -> memref<1x128x128xf32, #tpu.memory_space<hbm>>
        %dma_wait3A_321 = tpu.memref_squeeze %dma_wait3A_320 : memref<1x128x128xf32, #tpu.memory_space<hbm>> -> memref<128x128xf32, #tpu.memory_space<hbm>>
        %dma_wait3A_322 = arith.constant 0 : i32
        %dma_wait3A_323 = arith.constant 0 : i32
        %dma_wait3A_324 = tpu.memref_slice %arg4[%add3A_312, %dma_wait3A_322, %dma_wait3A_323] : memref<6400x128x128xf32, #tpu.memory_space<hbm>> -> memref<1x128x128xf32, #tpu.memory_space<hbm>>
        %dma_wait3A_325 = tpu.memref_squeeze %dma_wait3A_324 : memref<1x128x128xf32, #tpu.memory_space<hbm>> -> memref<128x128xf32, #tpu.memory_space<hbm>>
        %dma_wait3A_326 = arith.constant 0 : i32
        %dma_wait3A_327 = arith.constant 0 : i32
        %dma_wait3A_328 = tpu.memref_slice %arg6[%dma_wait3A_313, %dma_wait3A_326, %dma_wait3A_327] : memref<4x128x128xf32, #tpu.memory_space<vmem>> -> memref<1x128x128xf32, #tpu.memory_space<vmem>>
        %dma_wait3A_329 = tpu.memref_squeeze %dma_wait3A_328 : memref<1x128x128xf32, #tpu.memory_space<vmem>> -> memref<128x128xf32, #tpu.memory_space<vmem>>
        tpu.wait_dma2 semaphore(%arg11 : memref<!tpu.dma_semaphore, #tpu.memory_space<semaphore_mem>>) src(%dma_wait3A_329 : memref<128x128xf32, #tpu.memory_space<vmem>>) dst(%dma_wait3A_325 : memref<128x128xf32, #tpu.memory_space<hbm>>)
        %add3A_330 = arith.constant 4 : i32
        %add3A_331 = arith.addi %add3A_277, %add3A_330 : i32
        %dma_start3A_332 = arith.constant 0 : i32
        %dma_start3A_333 = arith.constant 0 : i32
        %dma_start3A_334 = arith.constant 0 : i32
        %dma_start3A_335 = tpu.memref_slice %arg6[%dma_start3A_332, %dma_start3A_333, %dma_start3A_334] : memref<4x128x128xf32, #tpu.memory_space<vmem>> -> memref<1x128x128xf32, #tpu.memory_space<vmem>>
        %dma_start3A_336 = tpu.memref_squeeze %dma_start3A_335 : memref<1x128x128xf32, #tpu.memory_space<vmem>> -> memref<128x128xf32, #tpu.memory_space<vmem>>
        %dma_start3A_337 = arith.constant 0 : i32
        %dma_start3A_338 = tpu.memref_slice %arg5[%add3A_331, %dma_start3A_337] : memref<200x128xi32, #tpu.memory_space<vmem>> -> memref<1x128xi32, #tpu.memory_space<vmem>>
        %dma_start3A_339 = tpu.memref_squeeze %dma_start3A_338 : memref<1x128xi32, #tpu.memory_space<vmem>> -> memref<128xi32, #tpu.memory_space<vmem>>
        %dma_start3A_340 = arith.constant 0 : i32
        %dma_start3A_341 = arith.constant 0 : i32
        %dma_start3A_342 = tpu.memref_slice %arg15[%dma_start3A_340, %dma_start3A_341] : memref<1000x128xf32, #tpu.memory_space<vmem_shared>> -> memref<1000x128xf32, #tpu.memory_space<vmem_shared>>
        tpu.enqueue_indirect_dma source(%dma_start3A_342 : memref<1000x128xf32, #tpu.memory_space<vmem_shared>>) target(%dma_start3A_336 : memref<128x128xf32, #tpu.memory_space<vmem>>) offsets(%dma_start3A_339 : memref<128xi32, #tpu.memory_space<vmem>>) semaphore(%arg7 : memref<!tpu.dma_semaphore, #tpu.memory_space<semaphore_mem>>)
      } else {
      }
      %add3A_284 = arith.constant 1 : i32
      %add3A_285 = arith.addi %mul3A_151, %add3A_284 : i32
      %add3A_286 = arith.constant 4 : i32
      %add3A_287 = arith.addi %add3A_285, %add3A_286 : i32
      %lt3A_288 = arith.constant 200 : i32
      %lt3A_289 = arith.cmpi slt, %add3A_287, %lt3A_288 : i32
      %convert_element_type3A_290 = arith.extui %lt3A_289 : i1 to i32
      %cond3A_291 = arith.constant 0 : i32
      %cond3A_292 = arith.cmpi ne, %convert_element_type3A_290, %cond3A_291 : i32
      scf.if %cond3A_292 {
        %add3A_312 = arith.addi %mul3A_4, %add3A_285 : i32
        %dma_wait3A_313 = arith.constant 1 : i32
        %dma_wait3A_314 = arith.constant 0 : i32
        %dma_wait3A_315 = arith.constant 0 : i32
        %dma_wait3A_316 = tpu.memref_slice %arg6[%dma_wait3A_313, %dma_wait3A_314, %dma_wait3A_315] : memref<4x128x128xf32, #tpu.memory_space<vmem>> -> memref<1x128x128xf32, #tpu.memory_space<vmem>>
        %dma_wait3A_317 = tpu.memref_squeeze %dma_wait3A_316 : memref<1x128x128xf32, #tpu.memory_space<vmem>> -> memref<128x128xf32, #tpu.memory_space<vmem>>
        %dma_wait3A_318 = arith.constant 0 : i32
        %dma_wait3A_319 = arith.constant 0 : i32
        %dma_wait3A_320 = tpu.memref_slice %arg4[%add3A_312, %dma_wait3A_318, %dma_wait3A_319] : memref<6400x128x128xf32, #tpu.memory_space<hbm>> -> memref<1x128x128xf32, #tpu.memory_space<hbm>>
        %dma_wait3A_321 = tpu.memref_squeeze %dma_wait3A_320 : memref<1x128x128xf32, #tpu.memory_space<hbm>> -> memref<128x128xf32, #tpu.memory_space<hbm>>
        %dma_wait3A_322 = arith.constant 0 : i32
        %dma_wait3A_323 = arith.constant 0 : i32
        %dma_wait3A_324 = tpu.memref_slice %arg4[%add3A_312, %dma_wait3A_322, %dma_wait3A_323] : memref<6400x128x128xf32, #tpu.memory_space<hbm>> -> memref<1x128x128xf32, #tpu.memory_space<hbm>>
        %dma_wait3A_325 = tpu.memref_squeeze %dma_wait3A_324 : memref<1x128x128xf32, #tpu.memory_space<hbm>> -> memref<128x128xf32, #tpu.memory_space<hbm>>
        %dma_wait3A_326 = arith.constant 0 : i32
        %dma_wait3A_327 = arith.constant 0 : i32
        %dma_wait3A_328 = tpu.memref_slice %arg6[%dma_wait3A_313, %dma_wait3A_326, %dma_wait3A_327] : memref<4x128x128xf32, #tpu.memory_space<vmem>> -> memref<1x128x128xf32, #tpu.memory_space<vmem>>
        %dma_wait3A_329 = tpu.memref_squeeze %dma_wait3A_328 : memref<1x128x128xf32, #tpu.memory_space<vmem>> -> memref<128x128xf32, #tpu.memory_space<vmem>>
        tpu.wait_dma2 semaphore(%arg12 : memref<!tpu.dma_semaphore, #tpu.memory_space<semaphore_mem>>) src(%dma_wait3A_329 : memref<128x128xf32, #tpu.memory_space<vmem>>) dst(%dma_wait3A_325 : memref<128x128xf32, #tpu.memory_space<hbm>>)
        %add3A_330 = arith.constant 4 : i32
        %add3A_331 = arith.addi %add3A_285, %add3A_330 : i32
        %dma_start3A_332 = arith.constant 1 : i32
        %dma_start3A_333 = arith.constant 0 : i32
        %dma_start3A_334 = arith.constant 0 : i32
        %dma_start3A_335 = tpu.memref_slice %arg6[%dma_start3A_332, %dma_start3A_333, %dma_start3A_334] : memref<4x128x128xf32, #tpu.memory_space<vmem>> -> memref<1x128x128xf32, #tpu.memory_space<vmem>>
        %dma_start3A_336 = tpu.memref_squeeze %dma_start3A_335 : memref<1x128x128xf32, #tpu.memory_space<vmem>> -> memref<128x128xf32, #tpu.memory_space<vmem>>
        %dma_start3A_337 = arith.constant 0 : i32
        %dma_start3A_338 = tpu.memref_slice %arg5[%add3A_331, %dma_start3A_337] : memref<200x128xi32, #tpu.memory_space<vmem>> -> memref<1x128xi32, #tpu.memory_space<vmem>>
        %dma_start3A_339 = tpu.memref_squeeze %dma_start3A_338 : memref<1x128xi32, #tpu.memory_space<vmem>> -> memref<128xi32, #tpu.memory_space<vmem>>
        %dma_start3A_340 = arith.constant 0 : i32
        %dma_start3A_341 = arith.constant 0 : i32
        %dma_start3A_342 = tpu.memref_slice %arg15[%dma_start3A_340, %dma_start3A_341] : memref<1000x128xf32, #tpu.memory_space<vmem_shared>> -> memref<1000x128xf32, #tpu.memory_space<vmem_shared>>
        tpu.enqueue_indirect_dma source(%dma_start3A_342 : memref<1000x128xf32, #tpu.memory_space<vmem_shared>>) target(%dma_start3A_336 : memref<128x128xf32, #tpu.memory_space<vmem>>) offsets(%dma_start3A_339 : memref<128xi32, #tpu.memory_space<vmem>>) semaphore(%arg8 : memref<!tpu.dma_semaphore, #tpu.memory_space<semaphore_mem>>)
      } else {
      }
      %add3A_293 = arith.constant 2 : i32
      %add3A_294 = arith.addi %mul3A_151, %add3A_293 : i32
      %add3A_295 = arith.constant 4 : i32
      %add3A_296 = arith.addi %add3A_294, %add3A_295 : i32
      %lt3A_297 = arith.constant 200 : i32
      %lt3A_298 = arith.cmpi slt, %add3A_296, %lt3A_297 : i32
      %convert_element_type3A_299 = arith.extui %lt3A_298 : i1 to i32
      %cond3A_300 = arith.constant 0 : i32
      %cond3A_301 = arith.cmpi ne, %convert_element_type3A_299, %cond3A_300 : i32
      scf.if %cond3A_301 {
        %add3A_312 = arith.addi %mul3A_4, %add3A_294 : i32
        %dma_wait3A_313 = arith.constant 2 : i32
        %dma_wait3A_314 = arith.constant 0 : i32
        %dma_wait3A_315 = arith.constant 0 : i32
        %dma_wait3A_316 = tpu.memref_slice %arg6[%dma_wait3A_313, %dma_wait3A_314, %dma_wait3A_315] : memref<4x128x128xf32, #tpu.memory_space<vmem>> -> memref<1x128x128xf32, #tpu.memory_space<vmem>>
        %dma_wait3A_317 = tpu.memref_squeeze %dma_wait3A_316 : memref<1x128x128xf32, #tpu.memory_space<vmem>> -> memref<128x128xf32, #tpu.memory_space<vmem>>
        %dma_wait3A_318 = arith.constant 0 : i32
        %dma_wait3A_319 = arith.constant 0 : i32
        %dma_wait3A_320 = tpu.memref_slice %arg4[%add3A_312, %dma_wait3A_318, %dma_wait3A_319] : memref<6400x128x128xf32, #tpu.memory_space<hbm>> -> memref<1x128x128xf32, #tpu.memory_space<hbm>>
        %dma_wait3A_321 = tpu.memref_squeeze %dma_wait3A_320 : memref<1x128x128xf32, #tpu.memory_space<hbm>> -> memref<128x128xf32, #tpu.memory_space<hbm>>
        %dma_wait3A_322 = arith.constant 0 : i32
        %dma_wait3A_323 = arith.constant 0 : i32
        %dma_wait3A_324 = tpu.memref_slice %arg4[%add3A_312, %dma_wait3A_322, %dma_wait3A_323] : memref<6400x128x128xf32, #tpu.memory_space<hbm>> -> memref<1x128x128xf32, #tpu.memory_space<hbm>>
        %dma_wait3A_325 = tpu.memref_squeeze %dma_wait3A_324 : memref<1x128x128xf32, #tpu.memory_space<hbm>> -> memref<128x128xf32, #tpu.memory_space<hbm>>
        %dma_wait3A_326 = arith.constant 0 : i32
        %dma_wait3A_327 = arith.constant 0 : i32
        %dma_wait3A_328 = tpu.memref_slice %arg6[%dma_wait3A_313, %dma_wait3A_326, %dma_wait3A_327] : memref<4x128x128xf32, #tpu.memory_space<vmem>> -> memref<1x128x128xf32, #tpu.memory_space<vmem>>
        %dma_wait3A_329 = tpu.memref_squeeze %dma_wait3A_328 : memref<1x128x128xf32, #tpu.memory_space<vmem>> -> memref<128x128xf32, #tpu.memory_space<vmem>>
        tpu.wait_dma2 semaphore(%arg13 : memref<!tpu.dma_semaphore, #tpu.memory_space<semaphore_mem>>) src(%dma_wait3A_329 : memref<128x128xf32, #tpu.memory_space<vmem>>) dst(%dma_wait3A_325 : memref<128x128xf32, #tpu.memory_space<hbm>>)
        %add3A_330 = arith.constant 4 : i32
        %add3A_331 = arith.addi %add3A_294, %add3A_330 : i32
        %dma_start3A_332 = arith.constant 2 : i32
        %dma_start3A_333 = arith.constant 0 : i32
        %dma_start3A_334 = arith.constant 0 : i32
        %dma_start3A_335 = tpu.memref_slice %arg6[%dma_start3A_332, %dma_start3A_333, %dma_start3A_334] : memref<4x128x128xf32, #tpu.memory_space<vmem>> -> memref<1x128x128xf32, #tpu.memory_space<vmem>>
        %dma_start3A_336 = tpu.memref_squeeze %dma_start3A_335 : memref<1x128x128xf32, #tpu.memory_space<vmem>> -> memref<128x128xf32, #tpu.memory_space<vmem>>
        %dma_start3A_337 = arith.constant 0 : i32
        %dma_start3A_338 = tpu.memref_slice %arg5[%add3A_331, %dma_start3A_337] : memref<200x128xi32, #tpu.memory_space<vmem>> -> memref<1x128xi32, #tpu.memory_space<vmem>>
        %dma_start3A_339 = tpu.memref_squeeze %dma_start3A_338 : memref<1x128xi32, #tpu.memory_space<vmem>> -> memref<128xi32, #tpu.memory_space<vmem>>
        %dma_start3A_340 = arith.constant 0 : i32
        %dma_start3A_341 = arith.constant 0 : i32
        %dma_start3A_342 = tpu.memref_slice %arg15[%dma_start3A_340, %dma_start3A_341] : memref<1000x128xf32, #tpu.memory_space<vmem_shared>> -> memref<1000x128xf32, #tpu.memory_space<vmem_shared>>
        tpu.enqueue_indirect_dma source(%dma_start3A_342 : memref<1000x128xf32, #tpu.memory_space<vmem_shared>>) target(%dma_start3A_336 : memref<128x128xf32, #tpu.memory_space<vmem>>) offsets(%dma_start3A_339 : memref<128xi32, #tpu.memory_space<vmem>>) semaphore(%arg9 : memref<!tpu.dma_semaphore, #tpu.memory_space<semaphore_mem>>)
      } else {
      }
      %add3A_302 = arith.constant 3 : i32
      %add3A_303 = arith.addi %mul3A_151, %add3A_302 : i32
      %add3A_304 = arith.constant 4 : i32
      %add3A_305 = arith.addi %add3A_303, %add3A_304 : i32
      %lt3A_306 = arith.constant 200 : i32
      %lt3A_307 = arith.cmpi slt, %add3A_305, %lt3A_306 : i32
      %convert_element_type3A_308 = arith.extui %lt3A_307 : i1 to i32
      %cond3A_309 = arith.constant 0 : i32
      %cond3A_310 = arith.cmpi ne, %convert_element_type3A_308, %cond3A_309 : i32
      scf.if %cond3A_310 {
        %add3A_312 = arith.addi %mul3A_4, %add3A_303 : i32
        %dma_wait3A_313 = arith.constant 3 : i32
        %dma_wait3A_314 = arith.constant 0 : i32
        %dma_wait3A_315 = arith.constant 0 : i32
        %dma_wait3A_316 = tpu.memref_slice %arg6[%dma_wait3A_313, %dma_wait3A_314, %dma_wait3A_315] : memref<4x128x128xf32, #tpu.memory_space<vmem>> -> memref<1x128x128xf32, #tpu.memory_space<vmem>>
        %dma_wait3A_317 = tpu.memref_squeeze %dma_wait3A_316 : memref<1x128x128xf32, #tpu.memory_space<vmem>> -> memref<128x128xf32, #tpu.memory_space<vmem>>
        %dma_wait3A_318 = arith.constant 0 : i32
        %dma_wait3A_319 = arith.constant 0 : i32
        %dma_wait3A_320 = tpu.memref_slice %arg4[%add3A_312, %dma_wait3A_318, %dma_wait3A_319] : memref<6400x128x128xf32, #tpu.memory_space<hbm>> -> memref<1x128x128xf32, #tpu.memory_space<hbm>>
        %dma_wait3A_321 = tpu.memref_squeeze %dma_wait3A_320 : memref<1x128x128xf32, #tpu.memory_space<hbm>> -> memref<128x128xf32, #tpu.memory_space<hbm>>
        %dma_wait3A_322 = arith.constant 0 : i32
        %dma_wait3A_323 = arith.constant 0 : i32
        %dma_wait3A_324 = tpu.memref_slice %arg4[%add3A_312, %dma_wait3A_322, %dma_wait3A_323] : memref<6400x128x128xf32, #tpu.memory_space<hbm>> -> memref<1x128x128xf32, #tpu.memory_space<hbm>>
        %dma_wait3A_325 = tpu.memref_squeeze %dma_wait3A_324 : memref<1x128x128xf32, #tpu.memory_space<hbm>> -> memref<128x128xf32, #tpu.memory_space<hbm>>
        %dma_wait3A_326 = arith.constant 0 : i32
        %dma_wait3A_327 = arith.constant 0 : i32
        %dma_wait3A_328 = tpu.memref_slice %arg6[%dma_wait3A_313, %dma_wait3A_326, %dma_wait3A_327] : memref<4x128x128xf32, #tpu.memory_space<vmem>> -> memref<1x128x128xf32, #tpu.memory_space<vmem>>
        %dma_wait3A_329 = tpu.memref_squeeze %dma_wait3A_328 : memref<1x128x128xf32, #tpu.memory_space<vmem>> -> memref<128x128xf32, #tpu.memory_space<vmem>>
        tpu.wait_dma2 semaphore(%arg14 : memref<!tpu.dma_semaphore, #tpu.memory_space<semaphore_mem>>) src(%dma_wait3A_329 : memref<128x128xf32, #tpu.memory_space<vmem>>) dst(%dma_wait3A_325 : memref<128x128xf32, #tpu.memory_space<hbm>>)
        %add3A_330 = arith.constant 4 : i32
        %add3A_331 = arith.addi %add3A_303, %add3A_330 : i32
        %dma_start3A_332 = arith.constant 3 : i32
        %dma_start3A_333 = arith.constant 0 : i32
        %dma_start3A_334 = arith.constant 0 : i32
        %dma_start3A_335 = tpu.memref_slice %arg6[%dma_start3A_332, %dma_start3A_333, %dma_start3A_334] : memref<4x128x128xf32, #tpu.memory_space<vmem>> -> memref<1x128x128xf32, #tpu.memory_space<vmem>>
        %dma_start3A_336 = tpu.memref_squeeze %dma_start3A_335 : memref<1x128x128xf32, #tpu.memory_space<vmem>> -> memref<128x128xf32, #tpu.memory_space<vmem>>
        %dma_start3A_337 = arith.constant 0 : i32
        %dma_start3A_338 = tpu.memref_slice %arg5[%add3A_331, %dma_start3A_337] : memref<200x128xi32, #tpu.memory_space<vmem>> -> memref<1x128xi32, #tpu.memory_space<vmem>>
        %dma_start3A_339 = tpu.memref_squeeze %dma_start3A_338 : memref<1x128xi32, #tpu.memory_space<vmem>> -> memref<128xi32, #tpu.memory_space<vmem>>
        %dma_start3A_340 = arith.constant 0 : i32
        %dma_start3A_341 = arith.constant 0 : i32
        %dma_start3A_342 = tpu.memref_slice %arg15[%dma_start3A_340, %dma_start3A_341] : memref<1000x128xf32, #tpu.memory_space<vmem_shared>> -> memref<1000x128xf32, #tpu.memory_space<vmem_shared>>
        tpu.enqueue_indirect_dma source(%dma_start3A_342 : memref<1000x128xf32, #tpu.memory_space<vmem_shared>>) target(%dma_start3A_336 : memref<128x128xf32, #tpu.memory_space<vmem>>) offsets(%dma_start3A_339 : memref<128xi32, #tpu.memory_space<vmem>>) semaphore(%arg10 : memref<!tpu.dma_semaphore, #tpu.memory_space<semaphore_mem>>)
      } else {
      }
      %scan3A_311 = arith.constant 0 : i32
      scf.yield %scan3A_311 : i32
    }
    %scan3A_57 = arith.constant 50 : i32
    %add3A_58 = arith.constant 200 : i32
    %add3A_59 = arith.addi %mul3A_4, %add3A_58 : i32
    %sub3A = arith.constant 4 : i32
    %sub3A_60 = arith.subi %add3A_59, %sub3A : i32
    %add3A_61 = arith.constant 0 : i32
    %add3A_62 = arith.addi %sub3A_60, %add3A_61 : i32
    %dma_wait3A = arith.constant 0 : i32
    %dma_wait3A_63 = arith.constant 0 : i32
    %dma_wait3A_64 = arith.constant 0 : i32
    %dma_wait3A_65 = tpu.memref_slice %arg6[%dma_wait3A, %dma_wait3A_63, %dma_wait3A_64] : memref<4x128x128xf32, #tpu.memory_space<vmem>> -> memref<1x128x128xf32, #tpu.memory_space<vmem>>
    %dma_wait3A_66 = tpu.memref_squeeze %dma_wait3A_65 : memref<1x128x128xf32, #tpu.memory_space<vmem>> -> memref<128x128xf32, #tpu.memory_space<vmem>>
    %dma_wait3A_67 = arith.constant 0 : i32
    %dma_wait3A_68 = arith.constant 0 : i32
    %dma_wait3A_69 = tpu.memref_slice %arg4[%add3A_62, %dma_wait3A_67, %dma_wait3A_68] : memref<6400x128x128xf32, #tpu.memory_space<hbm>> -> memref<1x128x128xf32, #tpu.memory_space<hbm>>
    %dma_wait3A_70 = tpu.memref_squeeze %dma_wait3A_69 : memref<1x128x128xf32, #tpu.memory_space<hbm>> -> memref<128x128xf32, #tpu.memory_space<hbm>>
    %dma_wait3A_71 = arith.constant 0 : i32
    %dma_wait3A_72 = arith.constant 0 : i32
    %dma_wait3A_73 = tpu.memref_slice %arg4[%add3A_62, %dma_wait3A_71, %dma_wait3A_72] : memref<6400x128x128xf32, #tpu.memory_space<hbm>> -> memref<1x128x128xf32, #tpu.memory_space<hbm>>
    %dma_wait3A_74 = tpu.memref_squeeze %dma_wait3A_73 : memref<1x128x128xf32, #tpu.memory_space<hbm>> -> memref<128x128xf32, #tpu.memory_space<hbm>>
    %dma_wait3A_75 = arith.constant 0 : i32
    %dma_wait3A_76 = arith.constant 0 : i32
    %dma_wait3A_77 = tpu.memref_slice %arg6[%dma_wait3A, %dma_wait3A_75, %dma_wait3A_76] : memref<4x128x128xf32, #tpu.memory_space<vmem>> -> memref<1x128x128xf32, #tpu.memory_space<vmem>>
    %dma_wait3A_78 = tpu.memref_squeeze %dma_wait3A_77 : memref<1x128x128xf32, #tpu.memory_space<vmem>> -> memref<128x128xf32, #tpu.memory_space<vmem>>
    tpu.wait_dma2 semaphore(%arg11 : memref<!tpu.dma_semaphore, #tpu.memory_space<semaphore_mem>>) src(%dma_wait3A_78 : memref<128x128xf32, #tpu.memory_space<vmem>>) dst(%dma_wait3A_74 : memref<128x128xf32, #tpu.memory_space<hbm>>)
    %add3A_79 = arith.constant 200 : i32
    %add3A_80 = arith.addi %mul3A_4, %add3A_79 : i32
    %sub3A_81 = arith.constant 4 : i32
    %sub3A_82 = arith.subi %add3A_80, %sub3A_81 : i32
    %add3A_83 = arith.constant 1 : i32
    %add3A_84 = arith.addi %sub3A_82, %add3A_83 : i32
    %dma_wait3A_85 = arith.constant 1 : i32
    %dma_wait3A_86 = arith.constant 0 : i32
    %dma_wait3A_87 = arith.constant 0 : i32
    %dma_wait3A_88 = tpu.memref_slice %arg6[%dma_wait3A_85, %dma_wait3A_86, %dma_wait3A_87] : memref<4x128x128xf32, #tpu.memory_space<vmem>> -> memref<1x128x128xf32, #tpu.memory_space<vmem>>
    %dma_wait3A_89 = tpu.memref_squeeze %dma_wait3A_88 : memref<1x128x128xf32, #tpu.memory_space<vmem>> -> memref<128x128xf32, #tpu.memory_space<vmem>>
    %dma_wait3A_90 = arith.constant 0 : i32
    %dma_wait3A_91 = arith.constant 0 : i32
    %dma_wait3A_92 = tpu.memref_slice %arg4[%add3A_84, %dma_wait3A_90, %dma_wait3A_91] : memref<6400x128x128xf32, #tpu.memory_space<hbm>> -> memref<1x128x128xf32, #tpu.memory_space<hbm>>
    %dma_wait3A_93 = tpu.memref_squeeze %dma_wait3A_92 : memref<1x128x128xf32, #tpu.memory_space<hbm>> -> memref<128x128xf32, #tpu.memory_space<hbm>>
    %dma_wait3A_94 = arith.constant 0 : i32
    %dma_wait3A_95 = arith.constant 0 : i32
    %dma_wait3A_96 = tpu.memref_slice %arg4[%add3A_84, %dma_wait3A_94, %dma_wait3A_95] : memref<6400x128x128xf32, #tpu.memory_space<hbm>> -> memref<1x128x128xf32, #tpu.memory_space<hbm>>
    %dma_wait3A_97 = tpu.memref_squeeze %dma_wait3A_96 : memref<1x128x128xf32, #tpu.memory_space<hbm>> -> memref<128x128xf32, #tpu.memory_space<hbm>>
    %dma_wait3A_98 = arith.constant 0 : i32
    %dma_wait3A_99 = arith.constant 0 : i32
    %dma_wait3A_100 = tpu.memref_slice %arg6[%dma_wait3A_85, %dma_wait3A_98, %dma_wait3A_99] : memref<4x128x128xf32, #tpu.memory_space<vmem>> -> memref<1x128x128xf32, #tpu.memory_space<vmem>>
    %dma_wait3A_101 = tpu.memref_squeeze %dma_wait3A_100 : memref<1x128x128xf32, #tpu.memory_space<vmem>> -> memref<128x128xf32, #tpu.memory_space<vmem>>
    tpu.wait_dma2 semaphore(%arg12 : memref<!tpu.dma_semaphore, #tpu.memory_space<semaphore_mem>>) src(%dma_wait3A_101 : memref<128x128xf32, #tpu.memory_space<vmem>>) dst(%dma_wait3A_97 : memref<128x128xf32, #tpu.memory_space<hbm>>)
    %add3A_102 = arith.constant 200 : i32
    %add3A_103 = arith.addi %mul3A_4, %add3A_102 : i32
    %sub3A_104 = arith.constant 4 : i32
    %sub3A_105 = arith.subi %add3A_103, %sub3A_104 : i32
    %add3A_106 = arith.constant 2 : i32
    %add3A_107 = arith.addi %sub3A_105, %add3A_106 : i32
    %dma_wait3A_108 = arith.constant 2 : i32
    %dma_wait3A_109 = arith.constant 0 : i32
    %dma_wait3A_110 = arith.constant 0 : i32
    %dma_wait3A_111 = tpu.memref_slice %arg6[%dma_wait3A_108, %dma_wait3A_109, %dma_wait3A_110] : memref<4x128x128xf32, #tpu.memory_space<vmem>> -> memref<1x128x128xf32, #tpu.memory_space<vmem>>
    %dma_wait3A_112 = tpu.memref_squeeze %dma_wait3A_111 : memref<1x128x128xf32, #tpu.memory_space<vmem>> -> memref<128x128xf32, #tpu.memory_space<vmem>>
    %dma_wait3A_113 = arith.constant 0 : i32
    %dma_wait3A_114 = arith.constant 0 : i32
    %dma_wait3A_115 = tpu.memref_slice %arg4[%add3A_107, %dma_wait3A_113, %dma_wait3A_114] : memref<6400x128x128xf32, #tpu.memory_space<hbm>> -> memref<1x128x128xf32, #tpu.memory_space<hbm>>
    %dma_wait3A_116 = tpu.memref_squeeze %dma_wait3A_115 : memref<1x128x128xf32, #tpu.memory_space<hbm>> -> memref<128x128xf32, #tpu.memory_space<hbm>>
    %dma_wait3A_117 = arith.constant 0 : i32
    %dma_wait3A_118 = arith.constant 0 : i32
    %dma_wait3A_119 = tpu.memref_slice %arg4[%add3A_107, %dma_wait3A_117, %dma_wait3A_118] : memref<6400x128x128xf32, #tpu.memory_space<hbm>> -> memref<1x128x128xf32, #tpu.memory_space<hbm>>
    %dma_wait3A_120 = tpu.memref_squeeze %dma_wait3A_119 : memref<1x128x128xf32, #tpu.memory_space<hbm>> -> memref<128x128xf32, #tpu.memory_space<hbm>>
    %dma_wait3A_121 = arith.constant 0 : i32
    %dma_wait3A_122 = arith.constant 0 : i32
    %dma_wait3A_123 = tpu.memref_slice %arg6[%dma_wait3A_108, %dma_wait3A_121, %dma_wait3A_122] : memref<4x128x128xf32, #tpu.memory_space<vmem>> -> memref<1x128x128xf32, #tpu.memory_space<vmem>>
    %dma_wait3A_124 = tpu.memref_squeeze %dma_wait3A_123 : memref<1x128x128xf32, #tpu.memory_space<vmem>> -> memref<128x128xf32, #tpu.memory_space<vmem>>
    tpu.wait_dma2 semaphore(%arg13 : memref<!tpu.dma_semaphore, #tpu.memory_space<semaphore_mem>>) src(%dma_wait3A_124 : memref<128x128xf32, #tpu.memory_space<vmem>>) dst(%dma_wait3A_120 : memref<128x128xf32, #tpu.memory_space<hbm>>)
    %add3A_125 = arith.constant 200 : i32
    %add3A_126 = arith.addi %mul3A_4, %add3A_125 : i32
    %sub3A_127 = arith.constant 4 : i32
    %sub3A_128 = arith.subi %add3A_126, %sub3A_127 : i32
    %add3A_129 = arith.constant 3 : i32
    %add3A_130 = arith.addi %sub3A_128, %add3A_129 : i32
    %dma_wait3A_131 = arith.constant 3 : i32
    %dma_wait3A_132 = arith.constant 0 : i32
    %dma_wait3A_133 = arith.constant 0 : i32
    %dma_wait3A_134 = tpu.memref_slice %arg6[%dma_wait3A_131, %dma_wait3A_132, %dma_wait3A_133] : memref<4x128x128xf32, #tpu.memory_space<vmem>> -> memref<1x128x128xf32, #tpu.memory_space<vmem>>
    %dma_wait3A_135 = tpu.memref_squeeze %dma_wait3A_134 : memref<1x128x128xf32, #tpu.memory_space<vmem>> -> memref<128x128xf32, #tpu.memory_space<vmem>>
    %dma_wait3A_136 = arith.constant 0 : i32
    %dma_wait3A_137 = arith.constant 0 : i32
    %dma_wait3A_138 = tpu.memref_slice %arg4[%add3A_130, %dma_wait3A_136, %dma_wait3A_137] : memref<6400x128x128xf32, #tpu.memory_space<hbm>> -> memref<1x128x128xf32, #tpu.memory_space<hbm>>
    %dma_wait3A_139 = tpu.memref_squeeze %dma_wait3A_138 : memref<1x128x128xf32, #tpu.memory_space<hbm>> -> memref<128x128xf32, #tpu.memory_space<hbm>>
    %dma_wait3A_140 = arith.constant 0 : i32
    %dma_wait3A_141 = arith.constant 0 : i32
    %dma_wait3A_142 = tpu.memref_slice %arg4[%add3A_130, %dma_wait3A_140, %dma_wait3A_141] : memref<6400x128x128xf32, #tpu.memory_space<hbm>> -> memref<1x128x128xf32, #tpu.memory_space<hbm>>
    %dma_wait3A_143 = tpu.memref_squeeze %dma_wait3A_142 : memref<1x128x128xf32, #tpu.memory_space<hbm>> -> memref<128x128xf32, #tpu.memory_space<hbm>>
    %dma_wait3A_144 = arith.constant 0 : i32
    %dma_wait3A_145 = arith.constant 0 : i32
    %dma_wait3A_146 = tpu.memref_slice %arg6[%dma_wait3A_131, %dma_wait3A_144, %dma_wait3A_145] : memref<4x128x128xf32, #tpu.memory_space<vmem>> -> memref<1x128x128xf32, #tpu.memory_space<vmem>>
    %dma_wait3A_147 = tpu.memref_squeeze %dma_wait3A_146 : memref<1x128x128xf32, #tpu.memory_space<vmem>> -> memref<128x128xf32, #tpu.memory_space<vmem>>
    tpu.wait_dma2 semaphore(%arg14 : memref<!tpu.dma_semaphore, #tpu.memory_space<semaphore_mem>>) src(%dma_wait3A_147 : memref<128x128xf32, #tpu.memory_space<vmem>>) dst(%dma_wait3A_143 : memref<128x128xf32, #tpu.memory_space<hbm>>)
    return
  }
}

</mosaic_0001>

<sc_bundles>
// kernel: _sc_gather.3.cloned.1.call-start
scs
__scs_entry_jumppad:
0x0: {  	(pc) =	sbr.rel $0x88, $3  }
0x1: {  	(tag) =	ssettag $0x0;
	lr =	simm.s32 $0x1  }
0x2: {  	[smem:$0x3F9F] =	sst lr;
	_ =	strace $0xD0000000  }
0x3: {  	_ = 	snop  }
0x4: {  	_ = 	snop  }
0x5: {  	_ = 	snop  }
0x6: {  	_ = 	snop  }
0x7: {  	_ = 	snop  }
__scs_overlays_trampoline_lowered:
0x8: {  	[smem:$0x3FAE] =	sst s0  }
0x9: {  	[smem:$0x3FAF] =	sst s1  }
0xa: {  	[smem:$0x3FB0] =	sst s2  }
0xb: {  	[smem:$0x3FB1] =	sst s3  }
0xc: {  	[smem:$0x3FB2] =	sst s4  }
0xd: {  	[smem:$0x3FB3] =	sst s5  }
0xe: {  	[smem:$0x3FB4] =	sst s6  }
0xf: {  	[smem:$0x3FB5] =	sst s7  }
0x10: {  	[smem:$0x3FB6] =	sst s8  }
0x11: {  	[smem:$0x3FB7] =	sst s9;
	s0 =	simm.s32 @!p0 $0x0  }
0x12: {  	s1 =	sld [smem:$0x3F9D];
	s0 =	simm.s32 @p0 $0x1  }
0x13: {  	[smem:$0x3FB8] =	sst s0;
	s0 =	simm.s32 @!p1 $0x0  }
0x14: {  	s2 =	sld [smem:$0x3F9C];
	s0 =	simm.s32 @p1 $0x1  }
0x15: {  	[smem:$0x3FB9] =	sst s0;
	s0 =	simm.s32 @!p2 $0x0  }
0x16: {  	s3 =	sld [smem:$0x3FDB];
	s0 =	simm.s32 @p2 $0x1  }
0x17: {  	s4 =	simm.s32 $0x1BF5;
	[smem:$0x3FBB] =	sst s0  }
0x18: {  	s0 =	sld [smem:$0x3F9E];
	_ =	swait.ge [sflag:s4], $0x0  }
0x19: {  	s7 =	sld [smem:$0x3F9F]  }
0x1a: {  	s8 =	sadd.s32 $0xFFFFE003, lr  }
0x1b: {  	s9 =	sadd.s32 $0xFFFFFEF7, lr;
	s5 =	simm.s32 $0xFFFFFFFF;
	p2 =	slt.u32 s8, $0xFFFFF086  }
0x1c: {  	p1 =	slt.u32 s9, $0xF7A;
	s5 =	simm.s32 @!p2 $0x0  }
0x1d: {  	s5 =	simm.s32 @p1 $0x1;
	p0 =	seq.s32 s7, s2  }
0x1e: {  	s7 =	smul.u32 @!p0 $0xF7A, s2;
	p2 =	seq.s32 @!p0 s5, $0x0  }
0x1f: {  	s9 =	smul.u32 $0xF7A, s1;
	s8 =	simm.s32 @!p0 $0x1BF5;
	p2 =	por !p2, p0  }
0x20: {  	[sflag:s8] =	ssyncset.s32 @!p0 $0xFFFFF086;
	s6 =	sadd.s32 @!p0 s3, s7;
	s7 =	simm.s32 @!p0 $0x108  }
0x21: {  	s3 =	sadd.s32 s3, s9;
	s6 =	sadd.s32 @!p0 $0x88, s6;
	s7 =	simm.s32 @p2 $0x1082  }
0x22: {  	[simem:s7], [sflag:s8] =	dma.local @!p0 [hbm:s6], $0xF7A  }
0x23: {  	s9 =	sor.u32 $0xD0000000, s2;
	s6 =	simm.s32 $0x108;
	_ =	swait.ge @!p0 [sflag:s8], $0x0  }
0x24: {  	s3 =	sadd.s32 $0x88, s3;
	s6 =	simm.s32 @!p1 $0x1082;
	[sflag:s4] =	ssyncset.s32 $0xFFFFF086  }
0x25: {  	[simem:s6], [sflag:s4] =	dma.local [hbm:s3], $0xF7A  }
0x26: {  	[smem:$0x3F9F] =	sst s1;
	(tag) =	ssettag s2;
	_ =	strace s9  }
0x27: {  	s1 =	sld [smem:$0x3FAF]  }
0x28: {  	s2 =	sld [smem:$0x3FB0]  }
0x29: {  	s4 =	sld [smem:$0x3FB2]  }
0x2a: {  	p0 =	seq.s32 s5, $0x0;
	s5 =	sld [smem:$0x3FB3]  }
0x2b: {  	s6 =	sld [smem:$0x3FB4]  }
0x2c: {  	s7 =	sld [smem:$0x3FB5]  }
0x2d: {  	s3 =	simm.s32 $0x108;
	s8 =	sld [smem:$0x3FB6]  }
0x2e: {  	s3 =	simm.s32 @!p0 $0x1082;
	s9 =	sld [smem:$0x3FB7]  }
0x2f: {  	lr =	sadd.s32 s0, s3;
	s0 =	sld [smem:$0x3FAE]  }
0x30: {  	s3 =	sld [smem:$0x3FB1]  }
0x31: {  	[smem:$0x3FBA] =	sst s10  }
0x32: {  	s10 =	sld [smem:$0x3FB8];
	_ =	sdelay $0x3  }
0x33: {  	p0 =	seq.s32 s10, $0x1;
	s10 =	sld [smem:$0x3FBA];
	_ =	sdelay $0x3  }
0x34: {  	[smem:$0x3FBA] =	sst s10  }
0x35: {  	s10 =	sld [smem:$0x3FB9];
	_ =	sdelay $0x3  }
0x36: {  	p1 =	seq.s32 s10, $0x1;
	s10 =	sld [smem:$0x3FBA];
	_ =	sdelay $0x3  }
0x37: {  	[smem:$0x3FBA] =	sst s10  }
0x38: {  	s10 =	sld [smem:$0x3FBB]  }
0x39: {  	_ = 	snop;
	(pc) =	sbr.ind lr, $3  }
0x3a: {  	_ = 	snop  }
0x3b: {  	_ = 	snop  }
0x3c: {  	p2 =	seq.s32 s10, $0x1;
	s10 =	sld [smem:$0x3FBA]  }
0x3d: {  	_ =	shalt  }
0x3e: {  	_ =	shalt  }
0x3f: {  	_ =	shalt  }
0x40: {  	_ =	shalt  }
0x41: {  	_ =	shalt  }
0x42: {  	_ =	shalt  }
0x43: {  	_ =	shalt  }
0x44: {  	_ =	shalt  }
0x45: {  	_ =	shalt  }
0x46: {  	_ =	shalt  }
0x47: {  	_ =	shalt  }
0x48: {  	_ =	shalt  }
0x49: {  	_ =	shalt  }
0x4a: {  	_ =	shalt  }
0x4b: {  	_ =	shalt  }
0x4c: {  	_ =	shalt  }
0x4d: {  	_ =	shalt  }
0x4e: {  	_ =	shalt  }
0x4f: {  	_ =	shalt  }
0x50: {  	_ =	shalt  }
0x51: {  	_ =	shalt  }
0x52: {  	_ =	shalt  }
0x53: {  	_ =	shalt  }
0x54: {  	_ =	shalt  }
0x55: {  	_ =	shalt  }
0x56: {  	_ =	shalt  }
0x57: {  	_ =	shalt  }
0x58: {  	_ =	shalt  }
0x59: {  	_ =	shalt  }
0x5a: {  	_ =	shalt  }
0x5b: {  	_ =	shalt  }
0x5c: {  	_ =	shalt  }
0x5d: {  	_ =	shalt  }
0x5e: {  	_ =	shalt  }
0x5f: {  	_ =	shalt  }
0x60: {  	_ =	shalt  }
0x61: {  	_ =	shalt  }
0x62: {  	_ =	shalt  }
0x63: {  	_ =	shalt  }
0x64: {  	_ =	shalt  }
0x65: {  	_ =	shalt  }
0x66: {  	_ =	shalt  }
0x67: {  	_ =	shalt  }
0x68: {  	_ =	shalt  }
0x69: {  	_ =	shalt  }
0x6a: {  	_ =	shalt  }
0x6b: {  	_ =	shalt  }
0x6c: {  	_ =	shalt  }
0x6d: {  	_ =	shalt  }
0x6e: {  	_ =	shalt  }
0x6f: {  	_ =	shalt  }
0x70: {  	_ =	shalt  }
0x71: {  	_ =	shalt  }
0x72: {  	_ =	shalt  }
0x73: {  	_ =	shalt  }
0x74: {  	_ =	shalt  }
0x75: {  	_ =	shalt  }
0x76: {  	_ =	shalt  }
0x77: {  	_ =	shalt  }
0x78: {  	_ =	shalt  }
0x79: {  	_ =	shalt  }
0x7a: {  	_ =	shalt  }
0x7b: {  	_ =	shalt  }
0x7c: {  	_ =	shalt  }
0x7d: {  	_ =	shalt  }
0x7e: {  	_ =	shalt  }
0x7f: {  	_ =	shalt  }
0x80: {  	_ =	shalt  }
0x81: {  	_ =	shalt  }
0x82: {  	_ =	shalt  }
0x83: {  	_ =	shalt  }
0x84: {  	_ =	shalt  }
0x85: {  	_ =	shalt  }
0x86: {  	_ =	shalt  }
0x87: {  	_ =	shalt  }
.Lfunc_end0:
.L_simem_size_0:
called_computation_lowered:
.L_overlay_start_0:
0x88: {  	s2 =	sld [smem:$0x3FD9]  }
0x89: {  	s3 =	sld [smem:$0x3FFE];
	_ =	sdelay $0x1  }
0x8a: {  	s1 =	srdreg.scid  }
0x8b: {  	s0 =	sand.u32 $0x1, s1  }
0x8c: {  	s18 =	sshll.u32 s0, $0xA;
	s2 =	sadd.s32 s3, s2  }
0x8d: {  	s2 =	sadd.s32 s2, s18  }
0x8e: {  	[smem:$0x3FC6] =	sst s2  }
0x8f: {  	_ = 	snop  }
0x90: {  	s2 =	sld [smem:$0x3FC9]  }
0x91: {  	s19 =	sld [smem:$0x3FC8]  }
0x92: {  	s4 =	sld [smem:$0x3FD0];
	(tm) =	ssettm $0x1  }
0x93: {  	s5 =	sld [smem:$0x3FFB];
	_ =	sdelay $0x3  }
0x94: {  	_ =	strace s5  }
0x95: {  	s5 =	sld [smem:$0x3FFC];
	_ =	sdelay $0x3  }
0x96: {  	_ =	strace s5  }
0x97: {  	s5 =	sld [smem:$0x3FFD];
	_ =	sdelay $0x3  }
0x98: {  	_ =	strace s5  }
0x99: {  	_ =	strace $0x8FFFFFFF  }
0x9a: {  	s20 =	sld [smem:$0x3FDB];
	_ =	sdelay $0x1  }
0x9b: {  	s6 =	simm.s32 $_scs_section_size  }
0x9c: {  	s7 =	simm.s32 $_size__tile_overlayer_lowered;
	s8 =	simm.s32 $_tile_overlayer_lowered  }
0x9d: {  	s23 =	simm.s32 $0x1BFF;
	s22 =	sshll.u32 s8, $0x1;
	s5 =	sadd.s32 s6, s20  }
0x9e: {  	s9 =	simm.s32 $0x0;
	s21 =	sshll.u32 s7, $0x1;
	s7 =	sadd.s32 s22, s5  }
0x9f: {  	[timem:s9], [sflag:s23] =	dma.local [hbm:s7], s21  }
0xa0: {  	_ =	swait.ge [sflag:s23], s21  }
0xa1: {  	s6 =	ssub.s32 $0x0, s21;
	[sflag:s23] =	ssyncset.done $0x0  }
0xa2: {  	[sflag:s23] =	ssyncadd.s32 s6;
	_ =	sdelay $0x1  }
0xa3: {  	s24 =	simm.s32 $0x1B8B  }
0xa4: {  	_ =	swait.ge [sflag:s24], $0x1  }
0xa5: {  	[sflag:s24] =	ssyncset.done $0x0  }
0xa6: {  	s25 =	simm.s32 $0x1B8E;
	[sflag:s24] =	ssyncadd.s32 $0xFFFFFFFF  }
0xa7: {  	s26 =	simm.s32 $execute0_lowered;
	[smem:$0x3FD2] =	sst s25  }
0xa8: {  	s6 =	sshll.u32 s26, $0x1;
	_ =	strace $0x80000046;
	[dreg:$0x1] =	wrdreg $0xFFFFFFFF  }
0xa9: {  	s28 =	simm.s32 $_size_execute0_lowered;
	s5 =	sadd.s32 s5, s6;
	[dreg:$0x0] =	wrdreg $0x0  }
0xaa: {  	s6 =	sshll.u32 s28, $0x1;
	[dreg:$0x2] =	wrdreg s5  }
0xab: {  	[dreg:$0x3] =	wrdreg s6  }
0xac: {  	[dreg:$0x4] =	wrdreg $0xC0  }
0xad: {  	_ =	task [dreg:s9], $0x5FFFF  }
0xae: {  	[dreg:$0x1] =	wrdreg $0xFFFFFFFF  }
0xaf: {  	[dreg:$0x0] =	wrdreg $0x60  }
0xb0: {  	[dreg:$0x2] =	wrdreg s2  }
0xb1: {  	[dreg:$0x3] =	wrdreg s19  }
0xb2: {  	[dreg:$0x4] =	wrdreg s4  }
0xb3: {  	[dreg:$0x5] =	wrdreg $0x164000  }
0xb4: {  	[dreg:$0x6] =	wrdreg $0x9  }
0xb5: {  	_ =	task.clear_ibuf [dreg:s9], $0x7FFFF;
	_ =	strace $0x90000046  }
0xb6: {  	s29 =	simm.s32 $0x9;
	_ =	strace $0x80000048  }
0xb7: {  	_ =	swait.ge [sflag:s29], $0x1  }
0xb8: {  	[sflag:s29] =	ssyncadd.s32 $0xFFFFFFFF  }
0xb9: {  	_ =	strace $0x90000048  }
0xba: {  	_ =	sfence  }
0xbb: {  	s30 =	sld [smem:$0x0];
	_ =	sdelay $0x2  }
0xbc: {  	s31 =	sshll.u32 s1, $0xD;
	s1 =	sshrl.u32 s1, $0x2  }
0xbd: {  	s3 =	sand.u32 $0x4000, s31;
	s1 =	sadd.s32 s1, s30  }
0xbe: {  	s0 =	sor.u32 s3, s0;
	s1 =	sshll.u32 s1, $0x11  }
0xbf: {  	s0 =	sor.u32 s1, s0  }
0xc0: {  	s0 =	sadd.s32 $0x8F2B, s0  }
0xc1: {  	[sflag:s0] =	ssyncadd.remote.s32 $0x1  }
0xc2: {  	_ =	sfence.sel $0xFFFF  }
0xc3: {  	[dreg:$0x0] =	wrdreg $0xFFFFFFFF;
	(pc) =	sbr.abs _section_cstart, $3  }
0xc4: {  	[dreg:$0x1] =	wrdreg $0xFFFFFFFF  }
0xc5: {  	_ =	task.clear_ibuf [dreg:s9], $0x2FFFF;
	_ =	strace $0x9FFFFFFF  }
0xc6: {  	(tm) =	ssettm $0x7FFFFFFF  }
0xc7: {  	_ =	shalt  }
tec
execute0_lowered:
.L_overlay_start_1:
0x0: {  	(tag) =	ssettag $0x1  }
0x1: {  	s0 =	rddreg [dreg:$0x0];
	s1 =	srdreg.scid  }
0x2: {  	s13 =	stileid.u32;
	s11 =	rddreg [dreg:$0x2]  }
0x3: {  	s2 =	rddreg [dreg:$0x3];
	s14 =	simm.s32 $0x9;
	s15 =	simm.s32 $0x80  }
0x4: {  	s16 =	simm.s32 $0x6400;
	s17 =	simm.s32 $0xA400;
	s19 =	simm.s32 $0xE400  }
0x5: {  	s21 =	simm.s32 $0x12400;
	s22 =	simm.s32 $0x1;
	s23 =	simm.s32 $0x2  }
0x6: {  	s28 =	simm.s32 $0x6;
	s29 =	simm.s32 $0x7;
	s8 =	smul.u32 $0x190, s13  }
0x7: {  	s30 =	simm.s32 $0x8;
	s1 =	sand.u32 $0x1, s1;
	s12 =	smul.u32 $0xC8000, s13  }
0x8: {  	s31 =	simm.s32 $0x0;
	s3 =	sshll.u32 s13, $0x1;
	s10 =	smul.u32 $0xC8, s1  }
0x9: {  	s4 =	sor.u32 s1, s3;
	s6 =	ssub.s32 $0x2, s1;
	s1 =	smul.u32 $0x64000, s1  }
0xa: {  	p0 =	sne.s32 s13, $0x0;
	s3 =	simm.s32 $0x0;
	s5 =	smul.u32 $0xC80, s4  }
0xb: {  	s13 =	sshrl.u32 @!p0 s2, $0x3;
	[smem:$0x7FF] =	sst s3;
	s4 =	smul.u32 $0x64000, s4  }
0xc: {  	s7 =	sshrl.u32 s6, $0x1;
	s26 =	sadd.s32 s12, s11;
	_ =	strace $0x80000047  }
0xd: {  	s6 =	ssub.s32 s6, s7;
	s25 =	sadd.s32 s10, s8;
	s0 =	sadd.s32 s0, s5  }
0xe: {  	s12 =	sadd.s32 s1, s26;
	s24 =	smax.u32 s6, $0x1;
	[dreg:$0x5] =	wrdreg s0  }
0xf: {  	s26 =	simm.s32 $0x5;
	s9 =	sadd.s32 s11, s4;
	[dreg:$0x6] =	wrdreg s24  }
0x10: {  	s6 =	sadd.s32 $0x62000, s9;
	s7 =	sadd.s32 $0x62800, s9;
	s0 =	sshll.u32 s25, $0xB  }
0x11: {  	s8 =	sadd.s32 $0x63000, s9;
	s9 =	sadd.s32 $0x63800, s9;
	s10 =	sadd.s32 s0, s11  }
0x12: {  	s24 =	simm.s32 $0x3;
	s25 =	simm.s32 $0x4;
	s11 =	sadd.s32 $0x1000, s10  }
.LBB2_1:
0x13: {  	s0 =	simm.s32 @!p0 $0x1C09;
	s1 =	rddreg [dreg:$0x1]  }
0x14: {  	[spmem:s13], [sflag:s0] =	dma.local @!p0 [hbm:s1], $0x3E80  }
0x15: {  	s0 =	simm.s32 @!p0 $0x9  }
0x16: {  	_ =	swait.ge @!p0 [sflag:s0], $0x3E80  }
0x17: {  	[sflag:s0] =	ssyncset.done @!p0 $0x0  }
0x18: {  	s20 =	rddreg [dreg:$0x5];
	[sflag:s0] =	ssyncadd.s32 @!p0 $0xFFFFC180  }
0x19: {  	[tilespmem:s3], [sflag:$0x9] =	stream.linear.gather [hbm4b:s20+s3], $0x6400, $0x38;
	[tilespmem:$0x18340] =	vst v63  }
0x1a: {  	_ =	swait.ge [sflag:s14], $0x6400  }
0x1b: {  	[sflag:s14] =	ssyncset.done $0x0  }
0x1c: {  	[sflag:s14] =	ssyncadd.s32 $0xFFFF9C00  }
0x1d: {  	[bflag:$0x0] =	sbarrier.arrive $0xFFFF  }
0x1e: {  	[tilespmem:s16], [sflag:$0x1] =	stream.indirect.gather [spmem:s2], $0x80, s3, s15, $0xb8;
	[tilespmem:$0x18340] =	vst v63  }
0x1f: {  	_ = 	snop  }
0x20: {  	[tilespmem:s17], [sflag:$0x2] =	stream.indirect.gather [spmem:s2], $0x80, s15, s15, $0xb8;
	[tilespmem:$0x18340] =	vst v63  }
0x21: {  	s1 =	simm.s32 $0x100  }
0x22: {  	[tilespmem:s19], [sflag:$0x3] =	stream.indirect.gather [spmem:s2], $0x80, s1, s15, $0xb8;
	[tilespmem:$0x18340] =	vst v63  }
0x23: {  	s4 =	simm.s32 $0x180  }
0x24: {  	[tilespmem:s21], [sflag:$0x4] =	stream.indirect.gather [spmem:s2], $0x80, s4, s15, $0xb8;
	[tilespmem:$0x18340] =	vst v63  }
0x25: {  	_ =	swait.ge [sflag:s22], $0x4000  }
0x26: {  	[sflag:s22] =	ssyncset.done $0x0  }
0x27: {  	s5 =	sadd.s32 $0x0, s12;
	[sflag:s22] =	ssyncadd.s32 $0xFFFFC000  }
0x28: {  	[hbm4b:s5+s3] =	stream.linear.scatter [tilespmem:s16], [sflag:$0x5], $0x4000, $0x38;
	[tilespmem:$0x18340] =	vst v63  }
0x29: {  	_ =	swait.ge [sflag:s23], $0x4000  }
0x2a: {  	s18 =	sadd.s32 $0x0, s10;
	[sflag:s23] =	ssyncset.done $0x0  }
0x2b: {  	s20 =	sadd.s32 $0x800, s18;
	[sflag:s23] =	ssyncadd.s32 $0xFFFFC000  }
0x2c: {  	[hbm4b:s20+s3] =	stream.linear.scatter [tilespmem:s17], [sflag:$0x6], $0x4000, $0x38;
	[tilespmem:$0x18340] =	vst v63  }
0x2d: {  	_ =	swait.ge [sflag:s24], $0x4000  }
0x2e: {  	[sflag:s24] =	ssyncset.done $0x0  }
0x2f: {  	s4 =	sadd.s32 $0x0, s11;
	[sflag:s24] =	ssyncadd.s32 $0xFFFFC000  }
0x30: {  	[hbm4b:s4+s3] =	stream.linear.scatter [tilespmem:s19], [sflag:$0x7], $0x4000, $0x38;
	[tilespmem:$0x18340] =	vst v63  }
0x31: {  	_ =	swait.ge [sflag:s25], $0x4000  }
0x32: {  	[sflag:s25] =	ssyncset.done $0x0  }
0x33: {  	s0 =	sadd.s32 $0x1800, s18;
	[sflag:s25] =	ssyncadd.s32 $0xFFFFC000  }
0x34: {  	[hbm4b:s0+s3] =	stream.linear.scatter [tilespmem:s21], [sflag:$0x8], $0x4000, $0x38;
	[tilespmem:$0x18340] =	vst v63  }
0x35: {  	_ =	swait.ge [sflag:s26], $0x4000  }
0x36: {  	[sflag:s26] =	ssyncset.done $0x0  }
0x37: {  	s5 =	simm.s32 $0x200;
	[sflag:s26] =	ssyncadd.s32 $0xFFFFC000  }
0x38: {  	[tilespmem:s16], [sflag:$0x1] =	stream.indirect.gather [spmem:s2], $0x80, s5, s15, $0xb8;
	[tilespmem:$0x18340] =	vst v63  }
0x39: {  	_ =	swait.ge [sflag:s28], $0x4000  }
0x3a: {  	[sflag:s28] =	ssyncset.done $0x0  }
0x3b: {  	s18 =	simm.s32 $0x280;
	[sflag:s28] =	ssyncadd.s32 $0xFFFFC000  }
0x3c: {  	[tilespmem:s17], [sflag:$0x2] =	stream.indirect.gather [spmem:s2], $0x80, s18, s15, $0xb8;
	[tilespmem:$0x18340] =	vst v63  }
0x3d: {  	_ =	swait.ge [sflag:s29], $0x4000  }
0x3e: {  	[sflag:s29] =	ssyncset.done $0x0  }
0x3f: {  	s20 =	simm.s32 $0x300;
	[sflag:s29] =	ssyncadd.s32 $0xFFFFC000  }
0x40: {  	[tilespmem:s19], [sflag:$0x3] =	stream.indirect.gather [spmem:s2], $0x80, s20, s15, $0xb8;
	[tilespmem:$0x18340] =	vst v63  }
0x41: {  	_ =	swait.ge [sflag:s30], $0x4000  }
0x42: {  	s1 =	simm.s32 $0x380;
	[sflag:s30] =	ssyncset.done $0x0  }
0x43: {  	s0 =	simm.s32 $0x2000;
	s18 =	simm.s32 $0x580;
	[sflag:s30] =	ssyncadd.s32 $0xFFFFC000  }
.LBB2_2:
0x44: {  	[tilespmem:s21], [sflag:$0x4] =	stream.indirect.gather [spmem:s2], $0x80, s1, s15, $0xb8;
	[tilespmem:$0x18340] =	vst v63  }
0x45: {  	s20 =	smov.u32 s0;
	s1 =	smov.u32 s18  }
0x46: {  	p1 =	sne.s32 s0, $0x60000;
	s0 =	sadd.s32 $0x2000, s0;
	_ =	swait.ge [sflag:s22], $0x4000  }
0x47: {  	[sflag:s22] =	ssyncset.done $0x0  }
0x48: {  	s4 =	sadd.s32 s20, s12;
	[sflag:s22] =	ssyncadd.s32 $0xFFFFC000  }
0x49: {  	[hbm4b:s4+s3] =	stream.linear.scatter [tilespmem:s16], [sflag:$0x5], $0x4000, $0x38;
	[tilespmem:$0x18340] =	vst v63  }
0x4a: {  	_ =	swait.ge [sflag:s23], $0x4000  }
0x4b: {  	s4 =	sadd.s32 s20, s10;
	[sflag:s23] =	ssyncset.done $0x0  }
0x4c: {  	s5 =	sadd.s32 $0x800, s4;
	[sflag:s23] =	ssyncadd.s32 $0xFFFFC000  }
0x4d: {  	[hbm4b:s5+s3] =	stream.linear.scatter [tilespmem:s17], [sflag:$0x6], $0x4000, $0x38;
	[tilespmem:$0x18340] =	vst v63  }
0x4e: {  	_ =	swait.ge [sflag:s24], $0x4000  }
0x4f: {  	[sflag:s24] =	ssyncset.done $0x0  }
0x50: {  	s5 =	sadd.s32 s20, s11;
	[sflag:s24] =	ssyncadd.s32 $0xFFFFC000  }
0x51: {  	[hbm4b:s5+s3] =	stream.linear.scatter [tilespmem:s19], [sflag:$0x7], $0x4000, $0x38;
	[tilespmem:$0x18340] =	vst v63  }
0x52: {  	_ =	swait.ge [sflag:s25], $0x4000  }
0x53: {  	[sflag:s25] =	ssyncset.done $0x0  }
0x54: {  	s4 =	sadd.s32 $0x1800, s4;
	[sflag:s25] =	ssyncadd.s32 $0xFFFFC000  }
0x55: {  	[hbm4b:s4+s3] =	stream.linear.scatter [tilespmem:s21], [sflag:$0x8], $0x4000, $0x38;
	[tilespmem:$0x18340] =	vst v63  }
0x56: {  	_ =	swait.ge [sflag:s26], $0x4000  }
0x57: {  	[sflag:s26] =	ssyncset.done $0x0  }
0x58: {  	s4 =	sadd.s32 $0xFFFFFE80, s18;
	[sflag:s26] =	ssyncadd.s32 $0xFFFFC000  }
0x59: {  	[tilespmem:s16], [sflag:$0x1] =	stream.indirect.gather [spmem:s2], $0x80, s4, s15, $0xb8;
	[tilespmem:$0x18340] =	vst v63  }
0x5a: {  	_ =	swait.ge [sflag:s28], $0x4000  }
0x5b: {  	[sflag:s28] =	ssyncset.done $0x0  }
0x5c: {  	s4 =	sadd.s32 $0xFFFFFF00, s18;
	[sflag:s28] =	ssyncadd.s32 $0xFFFFC000  }
0x5d: {  	[tilespmem:s17], [sflag:$0x2] =	stream.indirect.gather [spmem:s2], $0x80, s4, s15, $0xb8;
	[tilespmem:$0x18340] =	vst v63  }
0x5e: {  	_ =	swait.ge [sflag:s29], $0x4000  }
0x5f: {  	[sflag:s29] =	ssyncset.done $0x0  }
.Ltmp0:
0x60: {  	s4 =	sadd.s32 $0xFFFFFF80, s18;
	[sflag:s29] =	ssyncadd.s32 $0xFFFFC000;
	(pc) =	sbr.rel @p1 .LBB2_2-.Ltmp0, $4  }
0x61: {  	[tilespmem:s19], [sflag:$0x3] =	stream.indirect.gather [spmem:s2], $0x80, s4, s15, $0xb8;
	[tilespmem:$0x18340] =	vst v63  }
0x62: {  	_ =	swait.ge [sflag:s30], $0x4000  }
0x63: {  	[sflag:s30] =	ssyncset.done $0x0  }
0x64: {  	s18 =	sadd.s32 $0x200, s18;
	[sflag:s30] =	ssyncadd.s32 $0xFFFFC000  }
0x65: {  	[tilespmem:s21], [sflag:$0x4] =	stream.indirect.gather [spmem:s2], $0x80, s1, s15, $0xb8;
	[tilespmem:$0x18340] =	vst v63  }
0x66: {  	_ =	swait.ge [sflag:s22], $0x4000  }
0x67: {  	[sflag:s22] =	ssyncset.done $0x0  }
0x68: {  	[sflag:s22] =	ssyncadd.s32 $0xFFFFC000  }
0x69: {  	[hbm4b:s6+s3] =	stream.linear.scatter [tilespmem:s16], [sflag:$0x5], $0x4000, $0x38;
	[tilespmem:$0x18340] =	vst v63  }
0x6a: {  	_ =	swait.ge [sflag:s23], $0x4000  }
0x6b: {  	[sflag:s23] =	ssyncset.done $0x0  }
0x6c: {  	[sflag:s23] =	ssyncadd.s32 $0xFFFFC000  }
0x6d: {  	[hbm4b:s7+s3] =	stream.linear.scatter [tilespmem:s17], [sflag:$0x6], $0x4000, $0x38;
	[tilespmem:$0x18340] =	vst v63  }
0x6e: {  	_ =	swait.ge [sflag:s24], $0x4000  }
0x6f: {  	[sflag:s24] =	ssyncset.done $0x0  }
0x70: {  	[sflag:s24] =	ssyncadd.s32 $0xFFFFC000  }
0x71: {  	[hbm4b:s8+s3] =	stream.linear.scatter [tilespmem:s19], [sflag:$0x7], $0x4000, $0x38;
	[tilespmem:$0x18340] =	vst v63  }
0x72: {  	_ =	swait.ge [sflag:s25], $0x4000  }
0x73: {  	[sflag:s25] =	ssyncset.done $0x0  }
0x74: {  	[sflag:s25] =	ssyncadd.s32 $0xFFFFC000  }
0x75: {  	[hbm4b:s9+s3] =	stream.linear.scatter [tilespmem:s21], [sflag:$0x8], $0x4000, $0x38;
	[tilespmem:$0x18340] =	vst v63  }
0x76: {  	_ =	swait.ge [sflag:s26], $0x4000  }
0x77: {  	[sflag:s26] =	ssyncset.done $0x0  }
0x78: {  	[sflag:s26] =	ssyncadd.s32 $0xFFFFC000  }
0x79: {  	_ =	swait.ge [sflag:s28], $0x4000  }
0x7a: {  	[sflag:s28] =	ssyncset.done $0x0  }
0x7b: {  	[sflag:s28] =	ssyncadd.s32 $0xFFFFC000  }
0x7c: {  	_ =	swait.ge [sflag:s29], $0x4000  }
0x7d: {  	[sflag:s29] =	ssyncset.done $0x0  }
0x7e: {  	[sflag:s29] =	ssyncadd.s32 $0xFFFFC000  }
0x7f: {  	_ =	swait.ge [sflag:s30], $0x4000  }
0x80: {  	s31 =	sadd.s32 $0x1, s31;
	s0 =	rddreg [dreg:$0x6]  }
0x81: {  	p1 =	sne.s32 s31, s0  }
.Ltmp1:
0x82: {  	_ = 	snop;
	(pc) =	sbr.rel @p1 .LBB2_1-.Ltmp1, $3  }
0x83: {  	_ =	sdelay $0x1  }
0x84: {  	[sflag:s30] =	ssyncset.done $0x0  }
0x85: {  	[sflag:s30] =	ssyncadd.s32 $0xFFFFC000  }
0x86: {  	_ =	sfence.sel $0x180000  }
0x87: {  	[bflag:$0x0] =	sbarrier.arrive $0xFFFF  }
0x88: {  	_ =	strace $0x90000047  }
0x89: {  	[bflag:$0x2] =	sbarrier.arrive $0xFFFF  }
0x8a: {  	s0 =	rddreg [dreg:$0x4]  }
0x8b: {  	s0 =	sadd.s32 @!p0 $0x100000, s0  }
0x8c: {  	[sflag:s0] =	ssyncadd.tile.s32 @!p0 $0x1;
	_ =	shalt  }
.Lfunc_end2:
_tile_overlayer_lowered:
.L_overlay_start_2:
0x8d: {  	(tag) =	ssettag $0x2  }
0x8e: {  	s0 =	rddreg [dreg:$0x0];
	s2 =	stileid.u32  }
0x8f: {  	s1 =	rddreg [dreg:$0x1];
	p0 =	sne.s32 s2, $0x0  }
0x90: {  	s3 =	rddreg [dreg:$0x2];
	[bflag:$0x3] =	sbarrier.arrive $0xFFFF;
	s2 =	simm.s32 @!p0 $0x1C09  }
0x91: {  	[timem:s3], [sflag:s2] =	dma.local @!p0 [hbm:s0], s1  }
0x92: {  	s0 =	simm.s32 @!p0 $0x9  }
0x93: {  	_ =	swait.ge @!p0 [sflag:s0], s1  }
0x94: {  	s1 =	ssub.s32 @!p0 $0x0, s1;
	[sflag:s0] =	ssyncset.done @!p0 $0x0  }
0x95: {  	[sflag:s0] =	ssyncadd.s32 @!p0 s1  }
0x96: {  	[bflag:$0x3] =	sbarrier.arrive $0xFFFF  }
0x97: {  	_ =	shalt  }

</sc_bundles>
